<compile_context>
chip_gen: v7x
topology: tpu7x:2x2x1
jax: 0.10.2.dev20260603
libtpu: 0.0.44.dev20260713+nightly
codegen_flags: <defaults>
</compile_context>

<pallas_src>
import jax
import jax.numpy as jnp
from jax.experimental import pallas as pl
from jax.experimental.pallas import tpu as pltpu

_DT = 0.05
_G_NA = 120.0
_G_K = 36.0
_G_L = 0.3
_E_NA = 50.0
_E_K = -77.0
_E_L = -54.387

_HI = jax.lax.Precision.HIGHEST


def _dot(a, b, precision=_HI):
    return jax.lax.dot_general(a, b, (((1,), (0,)), ((), ())),
                               precision=precision,
                               preferred_element_type=jnp.float32)


def _split(x):
    hi = x.astype(jnp.bfloat16)
    lo = (x - hi.astype(jnp.float32)).astype(jnp.bfloat16)
    return hi, lo


def _dot3(x, m_hi, m_lo):
    x_hi, x_lo = _split(x)
    d = lambda a, b: _dot(a, b, precision=jax.lax.Precision.DEFAULT)
    return d(x_hi, m_hi) + d(x_hi, m_lo) + d(x_lo, m_hi)


def _hh_body(kt, n_neur, csrc_l, cdst_s, cw_s, gsrc_l, gdst_l, gsrc_s, gdst_s,
             gw_s, iext_ref, vout_ref, V_s, m_s, h_s, n_s,
             mch_s, mcl_s, mgh_s, mgl_s):
    nb = V_s.shape[0]
    nc = csrc_l.shape[1]
    ng = gsrc_l.shape[1]

    @pl.when(pl.program_id(1) == 0)
    def _init():
        f32 = jnp.float32
        ii = jax.lax.broadcasted_iota(jnp.int32, (n_neur, nc), 0)
        A = (ii == csrc_l[...]).astype(f32)
        jj = jax.lax.broadcasted_iota(jnp.int32, (nc, n_neur), 1)
        Wd = jnp.where(jj == cdst_s[...], cw_s[...], 0.0)
        mc = _dot(A, Wd)
        mch_s[...], mcl_s[...] = _split(mc)
        ig = jax.lax.broadcasted_iota(jnp.int32, (n_neur, ng), 0)
        Dg = ((ig == gdst_l[...]).astype(f32)
              - (ig == gsrc_l[...]).astype(f32))
        jg = jax.lax.broadcasted_iota(jnp.int32, (ng, n_neur), 1)
        WDg = (jnp.where(jg == gdst_s[...], gw_s[...], 0.0)
               - jnp.where(jg == gsrc_s[...], gw_s[...], 0.0))
        mg = _dot(Dg, WDg)
        mgh_s[...], mgl_s[...] = _split(mg)
        V_s[...] = jnp.full((nb, n_neur), -65.0, f32)
        m_s[...] = jnp.full((nb, n_neur), 0.0529, f32)
        h_s[...] = jnp.full((nb, n_neur), 0.5961, f32)
        n_s[...] = jnp.full((nb, n_neur), 0.3177, f32)

    Mch = mch_s[...]
    Mcl = mcl_s[...]
    Mgh = mgh_s[...]
    Mgl = mgl_s[...]

    V = V_s[...]
    m = m_s[...]
    h = h_s[...]
    n = n_s[...]
    for k in range(kt):
        I_t = iext_ref[:, 0, k, :]
        Q = jnp.exp((V + 40.0) * -0.1)
        P = jnp.exp((V + 65.0) * (-1.0 / 720.0))
        P2 = P * P
        P4 = P2 * P2
        P8 = P4 * P4
        P9 = P8 * P
        P16 = P8 * P8
        P32 = P16 * P16
        s_act = 1.0 / (1.0 + 54.598150033144236 * (Q * Q))
        g = _dot3(s_act, Mch, Mcl)
        I_chem = (0.0 - V) * g
        I_gap = -_dot3(V, Mgh, Mgl)
        I_Na = _G_NA * (m * m * m) * h * (V - _E_NA)
        n2 = n * n
        I_K = _G_K * (n2 * n2) * (V - _E_K)
        I_L = _G_L * (V - _E_L)
        dV = I_t + I_chem + I_gap - I_Na - I_K - I_L
        V_new = V + _DT * dV
        a_m = 0.1 * (V + 40.0) / (1.0 - Q + 1e-9)
        b_m = 4.0 * (P32 * P8)
        a_h = 0.07 * (P32 * P4)
        b_h = 1.0 / (1.0 + 1.6487212707001282 * Q)
        a_n = 0.01 * (V + 55.0) / (1.0 - 0.22313016014842982 * Q + 1e-9)
        b_n = 0.125 * P9
        m = jnp.clip(m + _DT * (a_m * (1.0 - m) - b_m * m), 0.0, 1.0)
        h = jnp.clip(h + _DT * (a_h * (1.0 - h) - b_h * h), 0.0, 1.0)
        n = jnp.clip(n + _DT * (a_n * (1.0 - n) - b_n * n), 0.0, 1.0)
        V = V_new
        vout_ref[:, 0, k, :] = V_new
    V_s[...] = V
    m_s[...] = m
    h_s[...] = h
    n_s[...] = n


def kernel(I_ext, chem_w, gap_w, chem_src, chem_dst, gap_src, gap_dst):
    nb, t, n_neur = I_ext.shape
    nc = chem_src.shape[0]
    ng = gap_src.shape[0]
    kt = next((k for k in (2, 5, 10, 20, 25) if t % k == 0), 1)
    nbc = nb
    grid = (nb // nbc, t // kt)

    csrc_l = chem_src.reshape(1, nc).astype(jnp.int32)
    cdst_s = chem_dst.reshape(nc, 1).astype(jnp.int32)
    cw_s = chem_w.reshape(nc, 1)
    gsrc_l = gap_src.reshape(1, ng).astype(jnp.int32)
    gdst_l = gap_dst.reshape(1, ng).astype(jnp.int32)
    gsrc_s = gap_src.reshape(ng, 1).astype(jnp.int32)
    gdst_s = gap_dst.reshape(ng, 1).astype(jnp.int32)
    gw_s = gap_w.reshape(ng, 1)
    iext4 = I_ext.reshape(nb, t // kt, kt, n_neur)

    def body(csrc, cdst, cw, gsl, gdl, gss, gds, gw, iext, vout,
             V_s, m_s, h_s, n_s, mch_s, mcl_s, mgh_s, mgl_s):
        _hh_body(kt, n_neur, csrc, cdst, cw, gsl, gdl, gss, gds, gw,
                 iext, vout, V_s, m_s, h_s, n_s, mch_s, mcl_s, mgh_s, mgl_s)

    fixed = lambda b, i: (0, 0)
    out = pl.pallas_call(
        body,
        grid=grid,
        in_specs=[
            pl.BlockSpec((1, nc), fixed),
            pl.BlockSpec((nc, 1), fixed),
            pl.BlockSpec((nc, 1), fixed),
            pl.BlockSpec((1, ng), fixed),
            pl.BlockSpec((1, ng), fixed),
            pl.BlockSpec((ng, 1), fixed),
            pl.BlockSpec((ng, 1), fixed),
            pl.BlockSpec((ng, 1), fixed),
            pl.BlockSpec((nbc, 1, kt, n_neur), lambda b, i: (b, i, 0, 0)),
        ],
        out_specs=pl.BlockSpec((nbc, 1, kt, n_neur),
                               lambda b, i: (b, i, 0, 0)),
        out_shape=jax.ShapeDtypeStruct((nb, t // kt, kt, n_neur),
                                       jnp.float32),
        scratch_shapes=[
            pltpu.VMEM((nbc, n_neur), jnp.float32),
            pltpu.VMEM((nbc, n_neur), jnp.float32),
            pltpu.VMEM((nbc, n_neur), jnp.float32),
            pltpu.VMEM((nbc, n_neur), jnp.float32),
            pltpu.VMEM((n_neur, n_neur), jnp.bfloat16),
            pltpu.VMEM((n_neur, n_neur), jnp.bfloat16),
            pltpu.VMEM((n_neur, n_neur), jnp.bfloat16),
            pltpu.VMEM((n_neur, n_neur), jnp.bfloat16),
        ],
        compiler_params=pltpu.CompilerParams(
            dimension_semantics=("parallel", "arbitrary")),
    )(csrc_l, cdst_s, cw_s, gsrc_l, gdst_l, gsrc_s, gdst_s, gw_s, iext4)
    return out.reshape(nb, t, n_neur)

# --- scband reference (transcript-rebuilt; emitter-appended) ---
"""Pipeline reference for scband-celegans-hh-14499809591306 (READ-ONLY COPY).

The authoritative reference and input builder live on the scoring server;
editing this copy changes nothing except your own understanding.
"""

import jax, jax.numpy as jnp
import numpy as np

N = 302
N_CHEM = 124
N_GAP = 100
B = 64
T = 500
DT = 0.05

C_M = 1.0
G_NA = 120.0
G_K = 36.0
G_L = 0.3
E_NA = 50.0
E_K = -77.0
E_L = -54.387
E_SYN = 0.0


def setup_inputs(seed: int = 0):
    key = jax.random.key(seed)
    k1, k2, k3, k4, k5, k6, k7 = jax.random.split(key, 7)
    I_ext = jax.random.normal(k1, (B, T, N), dtype=jnp.float32) * 2.0
    chem_src = jax.random.randint(k2, (N_CHEM,), 0, N)
    chem_dst = jax.random.randint(k3, (N_CHEM,), 0, N)
    chem_w = jax.random.uniform(k4, (N_CHEM,), dtype=jnp.float32, minval=0.5, maxval=3.0)
    gap_src = jax.random.randint(k5, (N_GAP,), 0, N)
    gap_dst = jax.random.randint(k6, (N_GAP,), 0, N)
    gap_w = jax.random.uniform(k7, (N_GAP,), dtype=jnp.float32, minval=0.5, maxval=3.0)
    return {
        'I_ext': I_ext,
        'chem_w': chem_w,
        'gap_w': gap_w,
        'chem_src': chem_src,
        'chem_dst': chem_dst,
        'gap_src': gap_src,
        'gap_dst': gap_dst,
    }


def _alpha_m(V):
    return 0.1 * (V + 40.0) / (1.0 - jnp.exp(-(V + 40.0) / 10.0) + 1e-9)


def _beta_m(V):
    return 4.0 * jnp.exp(-(V + 65.0) / 18.0)


def _alpha_h(V):
    return 0.07 * jnp.exp(-(V + 65.0) / 20.0)


def _beta_h(V):
    return 1.0 / (1.0 + jnp.exp(-(V + 35.0) / 10.0))


def _alpha_n(V):
    return 0.01 * (V + 55.0) / (1.0 - jnp.exp(-(V + 55.0) / 10.0) + 1e-9)


def _beta_n(V):
    return 0.125 * jnp.exp(-(V + 65.0) / 80.0)


def reference(I_ext, chem_w, gap_w, chem_src, chem_dst, gap_src, gap_dst):
    b = I_ext.shape[0]

    def step(state, I_t):
        V, m, h, n = state
        # chemical synapse message passing: gather presyn V, sigmoid activation,
        # scatter-add graded current onto postsynaptic neurons
        V_pre = V[:, chem_src]
        s = jax.nn.sigmoid((V_pre + 20.0) / 5.0)
        drive = chem_w[None, :] * s * (E_SYN - V[:, chem_dst])
        I_chem = jnp.zeros((b, N), dtype=V.dtype).at[:, chem_dst].add(drive)
        # gap junctions: symmetric ohmic coupling
        dv = gap_w[None, :] * (V[:, gap_src] - V[:, gap_dst])
        I_gap = jnp.zeros((b, N), dtype=V.dtype).at[:, gap_dst].add(dv)
        I_gap = I_gap.at[:, gap_src].add(-dv)
        # Hodgkin-Huxley membrane currents
        I_Na = G_NA * (m ** 3) * h * (V - E_NA)
        I_K = G_K * (n ** 4) * (V - E_K)
        I_L = G_L * (V - E_L)
        dV = (I_t + I_chem + I_gap - I_Na - I_K - I_L) / C_M
        V_new = V + DT * dV
        m_new = m + DT * (_alpha_m(V) * (1.0 - m) - _beta_m(V) * m)
        h_new = h + DT * (_alpha_h(V) * (1.0 - h) - _beta_h(V) * h)
        n_new = n + DT * (_alpha_n(V) * (1.0 - n) - _beta_n(V) * n)
        m_new = jnp.clip(m_new, 0.0, 1.0)
        h_new = jnp.clip(h_new, 0.0, 1.0)
        n_new = jnp.clip(n_new, 0.0, 1.0)
        return (V_new, m_new, h_new, n_new), V_new

    V0 = jnp.full((b, N), -65.0, dtype=jnp.float32)
    m0 = jnp.full((b, N), 0.0529, dtype=jnp.float32)
    h0 = jnp.full((b, N), 0.5961, dtype=jnp.float32)
    n0 = jnp.full((b, N), 0.3177, dtype=jnp.float32)
    I_seq = jnp.transpose(I_ext, (1, 0, 2))
    _, V_trace = jax.lax.scan(step, (V0, m0, h0, n0), I_seq)
    return jnp.transpose(V_trace, (1, 0, 2))

if __name__ == "__main__":
    import jax
    _d = setup_inputs()
    print(jax.jit(kernel)(*tuple(_d.values())))

</pallas_src>

<mosaic_0001>
module attributes {stable_mosaic.version = 14 : i64} {
  func.func @body(%arg0: i32, %arg1: i32, %arg2: memref<1x124xi32, #tpu.memory_space<vmem>>, %arg3: memref<124x1xi32, #tpu.memory_space<vmem>>, %arg4: memref<124x1xf32, #tpu.memory_space<vmem>>, %arg5: memref<1x100xi32, #tpu.memory_space<vmem>>, %arg6: memref<1x100xi32, #tpu.memory_space<vmem>>, %arg7: memref<100x1xi32, #tpu.memory_space<vmem>>, %arg8: memref<100x1xi32, #tpu.memory_space<vmem>>, %arg9: memref<100x1xf32, #tpu.memory_space<vmem>>, %arg10: memref<64x1x2x302xf32, #tpu.memory_space<vmem>>, %arg11: memref<64x1x2x302xf32, #tpu.memory_space<vmem>>, %arg12: memref<64x302xf32, #tpu.memory_space<vmem>>, %arg13: memref<64x302xf32, #tpu.memory_space<vmem>>, %arg14: memref<64x302xf32, #tpu.memory_space<vmem>>, %arg15: memref<64x302xf32, #tpu.memory_space<vmem>>, %arg16: memref<302x302xbf16, #tpu.memory_space<vmem>>, %arg17: memref<302x302xbf16, #tpu.memory_space<vmem>>, %arg18: memref<302x302xbf16, #tpu.memory_space<vmem>>, %arg19: memref<302x302xbf16, #tpu.memory_space<vmem>>) attributes {dimension_semantics = [#tpu.dimension_semantics<parallel>, #tpu.dimension_semantics<arbitrary>], iteration_bounds = array<i64: 1, 250>, scalar_prefetch = 0 : i64, scratch_operands = 8 : i64, tpu.core_type = #tpu.core_type<tc>, window_params = [{pipeline_mode = #tpu.pipeline_mode<synchronous>, transform_indices = @transform_0, window_bounds = array<i64: 1, 124>}, {pipeline_mode = #tpu.pipeline_mode<synchronous>, transform_indices = @transform_1, window_bounds = array<i64: 124, 1>}, {pipeline_mode = #tpu.pipeline_mode<synchronous>, transform_indices = @transform_2, window_bounds = array<i64: 124, 1>}, {pipeline_mode = #tpu.pipeline_mode<synchronous>, transform_indices = @transform_3, window_bounds = array<i64: 1, 100>}, {pipeline_mode = #tpu.pipeline_mode<synchronous>, transform_indices = @transform_4, window_bounds = array<i64: 1, 100>}, {pipeline_mode = #tpu.pipeline_mode<synchronous>, transform_indices = @transform_5, window_bounds = array<i64: 100, 1>}, {pipeline_mode = #tpu.pipeline_mode<synchronous>, transform_indices = @transform_6, window_bounds = array<i64: 100, 1>}, {pipeline_mode = #tpu.pipeline_mode<synchronous>, transform_indices = @transform_7, window_bounds = array<i64: 100, 1>}, {transform_indices = @transform_8, window_bounds = array<i64: 64, 1, 2, 302>}, {transform_indices = @transform_9, window_bounds = array<i64: 64, 1, 2, 302>}]} {
    %eq3A = arith.constant 0 : i32
    %eq3A_0 = arith.cmpi eq, %arg1, %eq3A : i32
    %convert_element_type3A = arith.extui %eq3A_0 : i1 to i32
    %cond3A = arith.constant 0 : i32
    %cond3A_1 = arith.cmpi ne, %convert_element_type3A, %cond3A : i32
    scf.if %cond3A_1 {
      %iota3A = tpu.iota {dimensions = array<i32: 0>} : vector<302x124xi32>
      %get3A_436 = arith.constant 0 : index
      %get3A_437 = arith.constant 0 : index
      %get3A_438 = vector.load %arg2[%get3A_436, %get3A_437] : memref<1x124xi32, #tpu.memory_space<vmem>>, vector<1x124xi32>
      %eq3A_439 = vector.broadcast %get3A_438 : vector<1x124xi32> to vector<302x124xi32>
      %eq3A_440 = arith.cmpi eq, %iota3A, %eq3A_439 : vector<302x124xi32>
      %convert_element_type3A_441 = arith.extui %eq3A_440 : vector<302x124xi1> to vector<302x124xi32>
      %convert_element_type3A_442 = arith.sitofp %convert_element_type3A_441 : vector<302x124xi32> to vector<302x124xf32>
      %iota3A_443 = tpu.iota {dimensions = array<i32: 1>} : vector<124x302xi32>
      %get3A_444 = arith.constant 0 : index
      %get3A_445 = arith.constant 0 : index
      %get3A_446 = vector.load %arg3[%get3A_444, %get3A_445] : memref<124x1xi32, #tpu.memory_space<vmem>>, vector<124x1xi32>
      %eq3A_447 = vector.broadcast %get3A_446 : vector<124x1xi32> to vector<124x302xi32>
      %eq3A_448 = arith.cmpi eq, %iota3A_443, %eq3A_447 : vector<124x302xi32>
      %get3A_449 = arith.constant 0 : index
      %get3A_450 = arith.constant 0 : index
      %get3A_451 = vector.load %arg4[%get3A_449, %get3A_450] : memref<124x1xf32, #tpu.memory_space<vmem>>, vector<124x1xf32>
      %jit3A_452 = arith.constant 0.000000e+00 : f32
      %broadcast_in_dim3A = vector.shape_cast %get3A_451 : vector<124x1xf32> to vector<124x1xf32>
      %broadcast_in_dim3A_453 = vector.broadcast %broadcast_in_dim3A : vector<124x1xf32> to vector<124x302xf32>
      %broadcast_in_dim3A_454 = vector.broadcast %jit3A_452 : f32 to vector<124x302xf32>
      %select_n3A = arith.select %eq3A_448, %broadcast_in_dim3A_453, %broadcast_in_dim3A_454 : vector<124x302xi1>, vector<124x302xf32>
      %dot_general3A_455 = arith.constant dense<0.000000e+00> : vector<302x302xf32>
      %dot_general3A_456 = tpu.matmul %convert_element_type3A_442, %select_n3A, %dot_general3A_455 {dimension_numbers = #tpu.dot_dimension_numbers<[1], [0], [0], [1], [0, 0, 1, 1], [], []>, precision = #tpu.contract_precision<fp32>, transpose_lhs_hint = false} : vector<302x124xf32>, vector<124x302xf32>, vector<302x302xf32> -> vector<302x302xf32>
      %convert_element_type3A_457 = arith.truncf %dot_general3A_456 : vector<302x302xf32> to vector<302x302xbf16>
      %convert_element_type3A_458 = arith.extf %convert_element_type3A_457 : vector<302x302xbf16> to vector<302x302xf32>
      %sub3A_459 = arith.subf %dot_general3A_456, %convert_element_type3A_458 : vector<302x302xf32>
      %convert_element_type3A_460 = arith.truncf %sub3A_459 : vector<302x302xf32> to vector<302x302xbf16>
      %swap3A_461 = arith.constant 0 : index
      %swap3A_462 = arith.constant 0 : index
      %swap3A_463 = vector.load %arg16[%swap3A_461, %swap3A_462] : memref<302x302xbf16, #tpu.memory_space<vmem>>, vector<302x302xbf16>
      tpu.vector_store %arg16[%swap3A_461, %swap3A_462], %convert_element_type3A_457 {strides = array<i32>} : memref<302x302xbf16, #tpu.memory_space<vmem>>, vector<302x302xbf16>,
      %swap3A_464 = arith.constant 0 : index
      %swap3A_465 = arith.constant 0 : index
      %swap3A_466 = vector.load %arg17[%swap3A_464, %swap3A_465] : memref<302x302xbf16, #tpu.memory_space<vmem>>, vector<302x302xbf16>
      tpu.vector_store %arg17[%swap3A_464, %swap3A_465], %convert_element_type3A_460 {strides = array<i32>} : memref<302x302xbf16, #tpu.memory_space<vmem>>, vector<302x302xbf16>,
      %iota3A_467 = tpu.iota {dimensions = array<i32: 0>} : vector<302x100xi32>
      %get3A_468 = arith.constant 0 : index
      %get3A_469 = arith.constant 0 : index
      %get3A_470 = vector.load %arg6[%get3A_468, %get3A_469] : memref<1x100xi32, #tpu.memory_space<vmem>>, vector<1x100xi32>
      %eq3A_471 = vector.broadcast %get3A_470 : vector<1x100xi32> to vector<302x100xi32>
      %eq3A_472 = arith.cmpi eq, %iota3A_467, %eq3A_471 : vector<302x100xi32>
      %convert_element_type3A_473 = arith.extui %eq3A_472 : vector<302x100xi1> to vector<302x100xi32>
      %convert_element_type3A_474 = arith.sitofp %convert_element_type3A_473 : vector<302x100xi32> to vector<302x100xf32>
      %get3A_475 = arith.constant 0 : index
      %get3A_476 = arith.constant 0 : index
      %get3A_477 = vector.load %arg5[%get3A_475, %get3A_476] : memref<1x100xi32, #tpu.memory_space<vmem>>, vector<1x100xi32>
      %eq3A_478 = vector.broadcast %get3A_477 : vector<1x100xi32> to vector<302x100xi32>
      %eq3A_479 = arith.cmpi eq, %iota3A_467, %eq3A_478 : vector<302x100xi32>
      %convert_element_type3A_480 = arith.extui %eq3A_479 : vector<302x100xi1> to vector<302x100xi32>
      %convert_element_type3A_481 = arith.sitofp %convert_element_type3A_480 : vector<302x100xi32> to vector<302x100xf32>
      %sub3A_482 = arith.subf %convert_element_type3A_474, %convert_element_type3A_481 : vector<302x100xf32>
      %iota3A_483 = tpu.iota {dimensions = array<i32: 1>} : vector<100x302xi32>
      %get3A_484 = arith.constant 0 : index
      %get3A_485 = arith.constant 0 : index
      %get3A_486 = vector.load %arg8[%get3A_484, %get3A_485] : memref<100x1xi32, #tpu.memory_space<vmem>>, vector<100x1xi32>
      %eq3A_487 = vector.broadcast %get3A_486 : vector<100x1xi32> to vector<100x302xi32>
      %eq3A_488 = arith.cmpi eq, %iota3A_483, %eq3A_487 : vector<100x302xi32>
      %get3A_489 = arith.constant 0 : index
      %get3A_490 = arith.constant 0 : index
      %get3A_491 = vector.load %arg9[%get3A_489, %get3A_490] : memref<100x1xf32, #tpu.memory_space<vmem>>, vector<100x1xf32>
      %jit3A_492 = arith.constant 0.000000e+00 : f32
      %broadcast_in_dim3A_493 = vector.shape_cast %get3A_491 : vector<100x1xf32> to vector<100x1xf32>
      %broadcast_in_dim3A_494 = vector.broadcast %broadcast_in_dim3A_493 : vector<100x1xf32> to vector<100x302xf32>
      %broadcast_in_dim3A_495 = vector.broadcast %jit3A_492 : f32 to vector<100x302xf32>
      %select_n3A_496 = arith.select %eq3A_488, %broadcast_in_dim3A_494, %broadcast_in_dim3A_495 : vector<100x302xi1>, vector<100x302xf32>
      %get3A_497 = arith.constant 0 : index
      %get3A_498 = arith.constant 0 : index
      %get3A_499 = vector.load %arg7[%get3A_497, %get3A_498] : memref<100x1xi32, #tpu.memory_space<vmem>>, vector<100x1xi32>
      %eq3A_500 = vector.broadcast %get3A_499 : vector<100x1xi32> to vector<100x302xi32>
      %eq3A_501 = arith.cmpi eq, %iota3A_483, %eq3A_500 : vector<100x302xi32>
      %get3A_502 = arith.constant 0 : index
      %get3A_503 = arith.constant 0 : index
      %get3A_504 = vector.load %arg9[%get3A_502, %get3A_503] : memref<100x1xf32, #tpu.memory_space<vmem>>, vector<100x1xf32>
      %jit3A_505 = arith.constant 0.000000e+00 : f32
      %broadcast_in_dim3A_506 = vector.shape_cast %get3A_504 : vector<100x1xf32> to vector<100x1xf32>
      %broadcast_in_dim3A_507 = vector.broadcast %broadcast_in_dim3A_506 : vector<100x1xf32> to vector<100x302xf32>
      %broadcast_in_dim3A_508 = vector.broadcast %jit3A_505 : f32 to vector<100x302xf32>
      %select_n3A_509 = arith.select %eq3A_501, %broadcast_in_dim3A_507, %broadcast_in_dim3A_508 : vector<100x302xi1>, vector<100x302xf32>
      %sub3A_510 = arith.subf %select_n3A_496, %select_n3A_509 : vector<100x302xf32>
      %dot_general3A_511 = arith.constant dense<0.000000e+00> : vector<302x302xf32>
      %dot_general3A_512 = tpu.matmul %sub3A_482, %sub3A_510, %dot_general3A_511 {dimension_numbers = #tpu.dot_dimension_numbers<[1], [0], [0], [1], [0, 0, 1, 1], [], []>, precision = #tpu.contract_precision<fp32>, transpose_lhs_hint = false} : vector<302x100xf32>, vector<100x302xf32>, vector<302x302xf32> -> vector<302x302xf32>
      %convert_element_type3A_513 = arith.truncf %dot_general3A_512 : vector<302x302xf32> to vector<302x302xbf16>
      %convert_element_type3A_514 = arith.extf %convert_element_type3A_513 : vector<302x302xbf16> to vector<302x302xf32>
      %sub3A_515 = arith.subf %dot_general3A_512, %convert_element_type3A_514 : vector<302x302xf32>
      %convert_element_type3A_516 = arith.truncf %sub3A_515 : vector<302x302xf32> to vector<302x302xbf16>
      %swap3A_517 = arith.constant 0 : index
      %swap3A_518 = arith.constant 0 : index
      %swap3A_519 = vector.load %arg18[%swap3A_517, %swap3A_518] : memref<302x302xbf16, #tpu.memory_space<vmem>>, vector<302x302xbf16>
      tpu.vector_store %arg18[%swap3A_517, %swap3A_518], %convert_element_type3A_513 {strides = array<i32>} : memref<302x302xbf16, #tpu.memory_space<vmem>>, vector<302x302xbf16>,
      %swap3A_520 = arith.constant 0 : index
      %swap3A_521 = arith.constant 0 : index
      %swap3A_522 = vector.load %arg19[%swap3A_520, %swap3A_521] : memref<302x302xbf16, #tpu.memory_space<vmem>>, vector<302x302xbf16>
      tpu.vector_store %arg19[%swap3A_520, %swap3A_521], %convert_element_type3A_516 {strides = array<i32>} : memref<302x302xbf16, #tpu.memory_space<vmem>>, vector<302x302xbf16>,
      %broadcast_in_dim3A_523 = arith.constant -6.500000e+01 : f32
      %broadcast_in_dim3A_524 = vector.broadcast %broadcast_in_dim3A_523 : f32 to vector<64x302xf32>
      %swap3A_525 = arith.constant 0 : index
      %swap3A_526 = arith.constant 0 : index
      %swap3A_527 = vector.load %arg12[%swap3A_525, %swap3A_526] : memref<64x302xf32, #tpu.memory_space<vmem>>, vector<64x302xf32>
      tpu.vector_store %arg12[%swap3A_525, %swap3A_526], %broadcast_in_dim3A_524 {strides = array<i32>} : memref<64x302xf32, #tpu.memory_space<vmem>>, vector<64x302xf32>,
      %broadcast_in_dim3A_528 = arith.constant 5.290000e-02 : f32
      %broadcast_in_dim3A_529 = vector.broadcast %broadcast_in_dim3A_528 : f32 to vector<64x302xf32>
      %swap3A_530 = arith.constant 0 : index
      %swap3A_531 = arith.constant 0 : index
      %swap3A_532 = vector.load %arg13[%swap3A_530, %swap3A_531] : memref<64x302xf32, #tpu.memory_space<vmem>>, vector<64x302xf32>
      tpu.vector_store %arg13[%swap3A_530, %swap3A_531], %broadcast_in_dim3A_529 {strides = array<i32>} : memref<64x302xf32, #tpu.memory_space<vmem>>, vector<64x302xf32>,
      %broadcast_in_dim3A_533 = arith.constant 5.961000e-01 : f32
      %broadcast_in_dim3A_534 = vector.broadcast %broadcast_in_dim3A_533 : f32 to vector<64x302xf32>
      %swap3A_535 = arith.constant 0 : index
      %swap3A_536 = arith.constant 0 : index
      %swap3A_537 = vector.load %arg14[%swap3A_535, %swap3A_536] : memref<64x302xf32, #tpu.memory_space<vmem>>, vector<64x302xf32>
      tpu.vector_store %arg14[%swap3A_535, %swap3A_536], %broadcast_in_dim3A_534 {strides = array<i32>} : memref<64x302xf32, #tpu.memory_space<vmem>>, vector<64x302xf32>,
      %broadcast_in_dim3A_538 = arith.constant 3.177000e-01 : f32
      %broadcast_in_dim3A_539 = vector.broadcast %broadcast_in_dim3A_538 : f32 to vector<64x302xf32>
      %swap3A_540 = arith.constant 0 : index
      %swap3A_541 = arith.constant 0 : index
      %swap3A_542 = vector.load %arg15[%swap3A_540, %swap3A_541] : memref<64x302xf32, #tpu.memory_space<vmem>>, vector<64x302xf32>
      tpu.vector_store %arg15[%swap3A_540, %swap3A_541], %broadcast_in_dim3A_539 {strides = array<i32>} : memref<64x302xf32, #tpu.memory_space<vmem>>, vector<64x302xf32>,
    } else {
    }
    %get3A = arith.constant 0 : index
    %get3A_2 = arith.constant 0 : index
    %get3A_3 = vector.load %arg16[%get3A, %get3A_2] : memref<302x302xbf16, #tpu.memory_space<vmem>>, vector<302x302xbf16>
    %get3A_4 = arith.constant 0 : index
    %get3A_5 = arith.constant 0 : index
    %get3A_6 = vector.load %arg17[%get3A_4, %get3A_5] : memref<302x302xbf16, #tpu.memory_space<vmem>>, vector<302x302xbf16>
    %get3A_7 = arith.constant 0 : index
    %get3A_8 = arith.constant 0 : index
    %get3A_9 = vector.load %arg18[%get3A_7, %get3A_8] : memref<302x302xbf16, #tpu.memory_space<vmem>>, vector<302x302xbf16>
    %get3A_10 = arith.constant 0 : index
    %get3A_11 = arith.constant 0 : index
    %get3A_12 = vector.load %arg19[%get3A_10, %get3A_11] : memref<302x302xbf16, #tpu.memory_space<vmem>>, vector<302x302xbf16>
    %get3A_13 = arith.constant 0 : index
    %get3A_14 = arith.constant 0 : index
    %get3A_15 = vector.load %arg12[%get3A_13, %get3A_14] : memref<64x302xf32, #tpu.memory_space<vmem>>, vector<64x302xf32>
    %get3A_16 = arith.constant 0 : index
    %get3A_17 = arith.constant 0 : index
    %get3A_18 = vector.load %arg13[%get3A_16, %get3A_17] : memref<64x302xf32, #tpu.memory_space<vmem>>, vector<64x302xf32>
    %get3A_19 = arith.constant 0 : index
    %get3A_20 = arith.constant 0 : index
    %get3A_21 = vector.load %arg14[%get3A_19, %get3A_20] : memref<64x302xf32, #tpu.memory_space<vmem>>, vector<64x302xf32>
    %get3A_22 = arith.constant 0 : index
    %get3A_23 = arith.constant 0 : index
    %get3A_24 = vector.load %arg15[%get3A_22, %get3A_23] : memref<64x302xf32, #tpu.memory_space<vmem>>, vector<64x302xf32>
    %get3A_25 = arith.constant 0 : index
    %get3A_26 = arith.constant 0 : index
    %get3A_27 = arith.constant 0 : index
    %get3A_28 = arith.constant 0 : index
    %get3A_29 = vector.load %arg10[%get3A_25, %get3A_26, %get3A_27, %get3A_28] : memref<64x1x2x302xf32, #tpu.memory_space<vmem>>, vector<64x1x1x302xf32>
    %get3A_30 = vector.shape_cast %get3A_29 : vector<64x1x1x302xf32> to vector<64x302xf32>
    %add3A = arith.constant 4.000000e+01 : f32
    %add3A_31 = vector.broadcast %add3A : f32 to vector<64x302xf32>
    %add3A_32 = arith.addf %get3A_15, %add3A_31 : vector<64x302xf32>
    %mul3A = arith.constant -1.000000e-01 : f32
    %mul3A_33 = vector.broadcast %mul3A : f32 to vector<64x302xf32>
    %mul3A_34 = arith.mulf %add3A_32, %mul3A_33 : vector<64x302xf32>
    %exp3A = math.exp %mul3A_34 : vector<64x302xf32>
    %add3A_35 = arith.constant 6.500000e+01 : f32
    %add3A_36 = vector.broadcast %add3A_35 : f32 to vector<64x302xf32>
    %add3A_37 = arith.addf %get3A_15, %add3A_36 : vector<64x302xf32>
    %mul3A_38 = arith.constant -0.00138888892 : f32
    %mul3A_39 = vector.broadcast %mul3A_38 : f32 to vector<64x302xf32>
    %mul3A_40 = arith.mulf %add3A_37, %mul3A_39 : vector<64x302xf32>
    %exp3A_41 = math.exp %mul3A_40 : vector<64x302xf32>
    %mul3A_42 = arith.mulf %exp3A_41, %exp3A_41 : vector<64x302xf32>
    %mul3A_43 = arith.mulf %mul3A_42, %mul3A_42 : vector<64x302xf32>
    %mul3A_44 = arith.mulf %mul3A_43, %mul3A_43 : vector<64x302xf32>
    %mul3A_45 = arith.mulf %mul3A_44, %exp3A_41 : vector<64x302xf32>
    %mul3A_46 = arith.mulf %mul3A_44, %mul3A_44 : vector<64x302xf32>
    %mul3A_47 = arith.mulf %mul3A_46, %mul3A_46 : vector<64x302xf32>
    %mul3A_48 = arith.mulf %exp3A, %exp3A : vector<64x302xf32>
    %mul3A_49 = arith.constant 54.5981483 : f32
    %mul3A_50 = vector.broadcast %mul3A_49 : f32 to vector<64x302xf32>
    %mul3A_51 = arith.mulf %mul3A_50, %mul3A_48 : vector<64x302xf32>
    %add3A_52 = arith.constant 1.000000e+00 : f32
    %add3A_53 = vector.broadcast %add3A_52 : f32 to vector<64x302xf32>
    %add3A_54 = arith.addf %add3A_53, %mul3A_51 : vector<64x302xf32>
    %div3A = arith.constant 1.000000e+00 : f32
    %div3A_55 = vector.broadcast %div3A : f32 to vector<64x302xf32>
    %div3A_56 = arith.divf %div3A_55, %add3A_54 : vector<64x302xf32>
    %convert_element_type3A_57 = arith.truncf %div3A_56 : vector<64x302xf32> to vector<64x302xbf16>
    %convert_element_type3A_58 = arith.extf %convert_element_type3A_57 : vector<64x302xbf16> to vector<64x302xf32>
    %sub3A = arith.subf %div3A_56, %convert_element_type3A_58 : vector<64x302xf32>
    %convert_element_type3A_59 = arith.truncf %sub3A : vector<64x302xf32> to vector<64x302xbf16>
    %dot_general3A = arith.constant dense<0.000000e+00> : vector<64x302xf32>
    %dot_general3A_60 = tpu.matmul %convert_element_type3A_57, %get3A_3, %dot_general3A {dimension_numbers = #tpu.dot_dimension_numbers<[1], [0], [0], [1], [0, 0, 1, 1], [], []>, transpose_lhs_hint = false} : vector<64x302xbf16>, vector<302x302xbf16>, vector<64x302xf32> -> vector<64x302xf32>
    %dot_general3A_61 = arith.constant dense<0.000000e+00> : vector<64x302xf32>
    %dot_general3A_62 = tpu.matmul %convert_element_type3A_57, %get3A_6, %dot_general3A_61 {dimension_numbers = #tpu.dot_dimension_numbers<[1], [0], [0], [1], [0, 0, 1, 1], [], []>, transpose_lhs_hint = false} : vector<64x302xbf16>, vector<302x302xbf16>, vector<64x302xf32> -> vector<64x302xf32>
    %add3A_63 = arith.addf %dot_general3A_60, %dot_general3A_62 : vector<64x302xf32>
    %dot_general3A_64 = arith.constant dense<0.000000e+00> : vector<64x302xf32>
    %dot_general3A_65 = tpu.matmul %convert_element_type3A_59, %get3A_3, %dot_general3A_64 {dimension_numbers = #tpu.dot_dimension_numbers<[1], [0], [0], [1], [0, 0, 1, 1], [], []>, transpose_lhs_hint = false} : vector<64x302xbf16>, vector<302x302xbf16>, vector<64x302xf32> -> vector<64x302xf32>
    %add3A_66 = arith.addf %add3A_63, %dot_general3A_65 : vector<64x302xf32>
    %sub3A_67 = arith.constant 0.000000e+00 : f32
    %sub3A_68 = vector.broadcast %sub3A_67 : f32 to vector<64x302xf32>
    %sub3A_69 = arith.subf %sub3A_68, %get3A_15 : vector<64x302xf32>
    %mul3A_70 = arith.mulf %sub3A_69, %add3A_66 : vector<64x302xf32>
    %convert_element_type3A_71 = arith.truncf %get3A_15 : vector<64x302xf32> to vector<64x302xbf16>
    %convert_element_type3A_72 = arith.extf %convert_element_type3A_71 : vector<64x302xbf16> to vector<64x302xf32>
    %sub3A_73 = arith.subf %get3A_15, %convert_element_type3A_72 : vector<64x302xf32>
    %convert_element_type3A_74 = arith.truncf %sub3A_73 : vector<64x302xf32> to vector<64x302xbf16>
    %dot_general3A_75 = arith.constant dense<0.000000e+00> : vector<64x302xf32>
    %dot_general3A_76 = tpu.matmul %convert_element_type3A_71, %get3A_9, %dot_general3A_75 {dimension_numbers = #tpu.dot_dimension_numbers<[1], [0], [0], [1], [0, 0, 1, 1], [], []>, transpose_lhs_hint = false} : vector<64x302xbf16>, vector<302x302xbf16>, vector<64x302xf32> -> vector<64x302xf32>
    %dot_general3A_77 = arith.constant dense<0.000000e+00> : vector<64x302xf32>
    %dot_general3A_78 = tpu.matmul %convert_element_type3A_71, %get3A_12, %dot_general3A_77 {dimension_numbers = #tpu.dot_dimension_numbers<[1], [0], [0], [1], [0, 0, 1, 1], [], []>, transpose_lhs_hint = false} : vector<64x302xbf16>, vector<302x302xbf16>, vector<64x302xf32> -> vector<64x302xf32>
    %add3A_79 = arith.addf %dot_general3A_76, %dot_general3A_78 : vector<64x302xf32>
    %dot_general3A_80 = arith.constant dense<0.000000e+00> : vector<64x302xf32>
    %dot_general3A_81 = tpu.matmul %convert_element_type3A_74, %get3A_9, %dot_general3A_80 {dimension_numbers = #tpu.dot_dimension_numbers<[1], [0], [0], [1], [0, 0, 1, 1], [], []>, transpose_lhs_hint = false} : vector<64x302xbf16>, vector<302x302xbf16>, vector<64x302xf32> -> vector<64x302xf32>
    %add3A_82 = arith.addf %add3A_79, %dot_general3A_81 : vector<64x302xf32>
    %neg3A = arith.constant 0.000000e+00 : f32
    %neg3A_83 = vector.broadcast %neg3A : f32 to vector<64x302xf32>
    %neg3A_84 = arith.subf %neg3A_83, %add3A_82 : vector<64x302xf32>
    %mul3A_85 = arith.mulf %get3A_18, %get3A_18 : vector<64x302xf32>
    %mul3A_86 = arith.mulf %mul3A_85, %get3A_18 : vector<64x302xf32>
    %mul3A_87 = arith.constant 1.200000e+02 : f32
    %mul3A_88 = vector.broadcast %mul3A_87 : f32 to vector<64x302xf32>
    %mul3A_89 = arith.mulf %mul3A_88, %mul3A_86 : vector<64x302xf32>
    %mul3A_90 = arith.mulf %mul3A_89, %get3A_21 : vector<64x302xf32>
    %sub3A_91 = arith.constant 5.000000e+01 : f32
    %sub3A_92 = vector.broadcast %sub3A_91 : f32 to vector<64x302xf32>
    %sub3A_93 = arith.subf %get3A_15, %sub3A_92 : vector<64x302xf32>
    %mul3A_94 = arith.mulf %mul3A_90, %sub3A_93 : vector<64x302xf32>
    %mul3A_95 = arith.mulf %get3A_24, %get3A_24 : vector<64x302xf32>
    %mul3A_96 = arith.mulf %mul3A_95, %mul3A_95 : vector<64x302xf32>
    %mul3A_97 = arith.constant 3.600000e+01 : f32
    %mul3A_98 = vector.broadcast %mul3A_97 : f32 to vector<64x302xf32>
    %mul3A_99 = arith.mulf %mul3A_98, %mul3A_96 : vector<64x302xf32>
    %sub3A_100 = arith.constant -7.700000e+01 : f32
    %sub3A_101 = vector.broadcast %sub3A_100 : f32 to vector<64x302xf32>
    %sub3A_102 = arith.subf %get3A_15, %sub3A_101 : vector<64x302xf32>
    %mul3A_103 = arith.mulf %mul3A_99, %sub3A_102 : vector<64x302xf32>
    %sub3A_104 = arith.constant -5.438700e+01 : f32
    %sub3A_105 = vector.broadcast %sub3A_104 : f32 to vector<64x302xf32>
    %sub3A_106 = arith.subf %get3A_15, %sub3A_105 : vector<64x302xf32>
    %mul3A_107 = arith.constant 3.000000e-01 : f32
    %mul3A_108 = vector.broadcast %mul3A_107 : f32 to vector<64x302xf32>
    %mul3A_109 = arith.mulf %mul3A_108, %sub3A_106 : vector<64x302xf32>
    %add3A_110 = arith.addf %get3A_30, %mul3A_70 : vector<64x302xf32>
    %add3A_111 = arith.addf %add3A_110, %neg3A_84 : vector<64x302xf32>
    %sub3A_112 = arith.subf %add3A_111, %mul3A_94 : vector<64x302xf32>
    %sub3A_113 = arith.subf %sub3A_112, %mul3A_103 : vector<64x302xf32>
    %sub3A_114 = arith.subf %sub3A_113, %mul3A_109 : vector<64x302xf32>
    %mul3A_115 = arith.constant 5.000000e-02 : f32
    %mul3A_116 = vector.broadcast %mul3A_115 : f32 to vector<64x302xf32>
    %mul3A_117 = arith.mulf %mul3A_116, %sub3A_114 : vector<64x302xf32>
    %add3A_118 = arith.addf %get3A_15, %mul3A_117 : vector<64x302xf32>
    %add3A_119 = arith.constant 4.000000e+01 : f32
    %add3A_120 = vector.broadcast %add3A_119 : f32 to vector<64x302xf32>
    %add3A_121 = arith.addf %get3A_15, %add3A_120 : vector<64x302xf32>
    %mul3A_122 = arith.constant 1.000000e-01 : f32
    %mul3A_123 = vector.broadcast %mul3A_122 : f32 to vector<64x302xf32>
    %mul3A_124 = arith.mulf %mul3A_123, %add3A_121 : vector<64x302xf32>
    %sub3A_125 = arith.constant 1.000000e+00 : f32
    %sub3A_126 = vector.broadcast %sub3A_125 : f32 to vector<64x302xf32>
    %sub3A_127 = arith.subf %sub3A_126, %exp3A : vector<64x302xf32>
    %add3A_128 = arith.constant 9.99999971E-10 : f32
    %add3A_129 = vector.broadcast %add3A_128 : f32 to vector<64x302xf32>
    %add3A_130 = arith.addf %sub3A_127, %add3A_129 : vector<64x302xf32>
    %div3A_131 = arith.divf %mul3A_124, %add3A_130 : vector<64x302xf32>
    %mul3A_132 = arith.mulf %mul3A_47, %mul3A_44 : vector<64x302xf32>
    %mul3A_133 = arith.constant 4.000000e+00 : f32
    %mul3A_134 = vector.broadcast %mul3A_133 : f32 to vector<64x302xf32>
    %mul3A_135 = arith.mulf %mul3A_134, %mul3A_132 : vector<64x302xf32>
    %mul3A_136 = arith.mulf %mul3A_47, %mul3A_43 : vector<64x302xf32>
    %mul3A_137 = arith.constant 7.000000e-02 : f32
    %mul3A_138 = vector.broadcast %mul3A_137 : f32 to vector<64x302xf32>
    %mul3A_139 = arith.mulf %mul3A_138, %mul3A_136 : vector<64x302xf32>
    %mul3A_140 = arith.constant 1.64872122 : f32
    %mul3A_141 = vector.broadcast %mul3A_140 : f32 to vector<64x302xf32>
    %mul3A_142 = arith.mulf %mul3A_141, %exp3A : vector<64x302xf32>
    %add3A_143 = arith.constant 1.000000e+00 : f32
    %add3A_144 = vector.broadcast %add3A_143 : f32 to vector<64x302xf32>
    %add3A_145 = arith.addf %add3A_144, %mul3A_142 : vector<64x302xf32>
    %div3A_146 = arith.constant 1.000000e+00 : f32
    %div3A_147 = vector.broadcast %div3A_146 : f32 to vector<64x302xf32>
    %div3A_148 = arith.divf %div3A_147, %add3A_145 : vector<64x302xf32>
    %add3A_149 = arith.constant 5.500000e+01 : f32
    %add3A_150 = vector.broadcast %add3A_149 : f32 to vector<64x302xf32>
    %add3A_151 = arith.addf %get3A_15, %add3A_150 : vector<64x302xf32>
    %mul3A_152 = arith.constant 0.00999999977 : f32
    %mul3A_153 = vector.broadcast %mul3A_152 : f32 to vector<64x302xf32>
    %mul3A_154 = arith.mulf %mul3A_153, %add3A_151 : vector<64x302xf32>
    %mul3A_155 = arith.constant 0.223130167 : f32
    %mul3A_156 = vector.broadcast %mul3A_155 : f32 to vector<64x302xf32>
    %mul3A_157 = arith.mulf %mul3A_156, %exp3A : vector<64x302xf32>
    %sub3A_158 = arith.constant 1.000000e+00 : f32
    %sub3A_159 = vector.broadcast %sub3A_158 : f32 to vector<64x302xf32>
    %sub3A_160 = arith.subf %sub3A_159, %mul3A_157 : vector<64x302xf32>
    %add3A_161 = arith.constant 9.99999971E-10 : f32
    %add3A_162 = vector.broadcast %add3A_161 : f32 to vector<64x302xf32>
    %add3A_163 = arith.addf %sub3A_160, %add3A_162 : vector<64x302xf32>
    %div3A_164 = arith.divf %mul3A_154, %add3A_163 : vector<64x302xf32>
    %mul3A_165 = arith.constant 1.250000e-01 : f32
    %mul3A_166 = vector.broadcast %mul3A_165 : f32 to vector<64x302xf32>
    %mul3A_167 = arith.mulf %mul3A_166, %mul3A_45 : vector<64x302xf32>
    %sub3A_168 = arith.constant 1.000000e+00 : f32
    %sub3A_169 = vector.broadcast %sub3A_168 : f32 to vector<64x302xf32>
    %sub3A_170 = arith.subf %sub3A_169, %get3A_18 : vector<64x302xf32>
    %mul3A_171 = arith.mulf %div3A_131, %sub3A_170 : vector<64x302xf32>
    %mul3A_172 = arith.mulf %mul3A_135, %get3A_18 : vector<64x302xf32>
    %sub3A_173 = arith.subf %mul3A_171, %mul3A_172 : vector<64x302xf32>
    %mul3A_174 = arith.constant 5.000000e-02 : f32
    %mul3A_175 = vector.broadcast %mul3A_174 : f32 to vector<64x302xf32>
    %mul3A_176 = arith.mulf %mul3A_175, %sub3A_173 : vector<64x302xf32>
    %add3A_177 = arith.addf %get3A_18, %mul3A_176 : vector<64x302xf32>
    %jit3A = arith.constant 0.000000e+00 : f32
    %jit3A_178 = arith.constant 1.000000e+00 : f32
    %max3A = vector.broadcast %jit3A : f32 to vector<64x302xf32>
    %max3A_179 = arith.maximumf %max3A, %add3A_177 : vector<64x302xf32>
    %min3A = vector.broadcast %jit3A_178 : f32 to vector<64x302xf32>
    %min3A_180 = arith.minimumf %min3A, %max3A_179 : vector<64x302xf32>
    %sub3A_181 = arith.constant 1.000000e+00 : f32
    %sub3A_182 = vector.broadcast %sub3A_181 : f32 to vector<64x302xf32>
    %sub3A_183 = arith.subf %sub3A_182, %get3A_21 : vector<64x302xf32>
    %mul3A_184 = arith.mulf %mul3A_139, %sub3A_183 : vector<64x302xf32>
    %mul3A_185 = arith.mulf %div3A_148, %get3A_21 : vector<64x302xf32>
    %sub3A_186 = arith.subf %mul3A_184, %mul3A_185 : vector<64x302xf32>
    %mul3A_187 = arith.constant 5.000000e-02 : f32
    %mul3A_188 = vector.broadcast %mul3A_187 : f32 to vector<64x302xf32>
    %mul3A_189 = arith.mulf %mul3A_188, %sub3A_186 : vector<64x302xf32>
    %add3A_190 = arith.addf %get3A_21, %mul3A_189 : vector<64x302xf32>
    %jit3A_191 = arith.constant 0.000000e+00 : f32
    %jit3A_192 = arith.constant 1.000000e+00 : f32
    %max3A_193 = vector.broadcast %jit3A_191 : f32 to vector<64x302xf32>
    %max3A_194 = arith.maximumf %max3A_193, %add3A_190 : vector<64x302xf32>
    %min3A_195 = vector.broadcast %jit3A_192 : f32 to vector<64x302xf32>
    %min3A_196 = arith.minimumf %min3A_195, %max3A_194 : vector<64x302xf32>
    %sub3A_197 = arith.constant 1.000000e+00 : f32
    %sub3A_198 = vector.broadcast %sub3A_197 : f32 to vector<64x302xf32>
    %sub3A_199 = arith.subf %sub3A_198, %get3A_24 : vector<64x302xf32>
    %mul3A_200 = arith.mulf %div3A_164, %sub3A_199 : vector<64x302xf32>
    %mul3A_201 = arith.mulf %mul3A_167, %get3A_24 : vector<64x302xf32>
    %sub3A_202 = arith.subf %mul3A_200, %mul3A_201 : vector<64x302xf32>
    %mul3A_203 = arith.constant 5.000000e-02 : f32
    %mul3A_204 = vector.broadcast %mul3A_203 : f32 to vector<64x302xf32>
    %mul3A_205 = arith.mulf %mul3A_204, %sub3A_202 : vector<64x302xf32>
    %add3A_206 = arith.addf %get3A_24, %mul3A_205 : vector<64x302xf32>
    %jit3A_207 = arith.constant 0.000000e+00 : f32
    %jit3A_208 = arith.constant 1.000000e+00 : f32
    %max3A_209 = vector.broadcast %jit3A_207 : f32 to vector<64x302xf32>
    %max3A_210 = arith.maximumf %max3A_209, %add3A_206 : vector<64x302xf32>
    %min3A_211 = vector.broadcast %jit3A_208 : f32 to vector<64x302xf32>
    %min3A_212 = arith.minimumf %min3A_211, %max3A_210 : vector<64x302xf32>
    %swap3A = arith.constant 0 : index
    %swap3A_213 = arith.constant 0 : index
    %swap3A_214 = arith.constant 0 : index
    %swap3A_215 = arith.constant 0 : index
    %swap3A_216 = vector.load %arg11[%swap3A, %swap3A_213, %swap3A_214, %swap3A_215] : memref<64x1x2x302xf32, #tpu.memory_space<vmem>>, vector<64x1x1x302xf32>
    %swap3A_217 = vector.shape_cast %swap3A_216 : vector<64x1x1x302xf32> to vector<64x302xf32>
    %swap3A_218 = vector.shape_cast %add3A_118 : vector<64x302xf32> to vector<64x1x1x302xf32>
    tpu.vector_store %arg11[%swap3A, %swap3A_213, %swap3A_214, %swap3A_215], %swap3A_218 {strides = array<i32>} : memref<64x1x2x302xf32, #tpu.memory_space<vmem>>, vector<64x1x1x302xf32>,
    %get3A_219 = arith.constant 0 : index
    %get3A_220 = arith.constant 0 : index
    %get3A_221 = arith.constant 1 : index
    %get3A_222 = arith.constant 0 : index
    %get3A_223 = vector.load %arg10[%get3A_219, %get3A_220, %get3A_221, %get3A_222] : memref<64x1x2x302xf32, #tpu.memory_space<vmem>>, vector<64x1x1x302xf32>
    %get3A_224 = vector.shape_cast %get3A_223 : vector<64x1x1x302xf32> to vector<64x302xf32>
    %add3A_225 = arith.constant 4.000000e+01 : f32
    %add3A_226 = vector.broadcast %add3A_225 : f32 to vector<64x302xf32>
    %add3A_227 = arith.addf %add3A_118, %add3A_226 : vector<64x302xf32>
    %mul3A_228 = arith.constant -1.000000e-01 : f32
    %mul3A_229 = vector.broadcast %mul3A_228 : f32 to vector<64x302xf32>
    %mul3A_230 = arith.mulf %add3A_227, %mul3A_229 : vector<64x302xf32>
    %exp3A_231 = math.exp %mul3A_230 : vector<64x302xf32>
    %add3A_232 = arith.constant 6.500000e+01 : f32
    %add3A_233 = vector.broadcast %add3A_232 : f32 to vector<64x302xf32>
    %add3A_234 = arith.addf %add3A_118, %add3A_233 : vector<64x302xf32>
    %mul3A_235 = arith.constant -0.00138888892 : f32
    %mul3A_236 = vector.broadcast %mul3A_235 : f32 to vector<64x302xf32>
    %mul3A_237 = arith.mulf %add3A_234, %mul3A_236 : vector<64x302xf32>
    %exp3A_238 = math.exp %mul3A_237 : vector<64x302xf32>
    %mul3A_239 = arith.mulf %exp3A_238, %exp3A_238 : vector<64x302xf32>
    %mul3A_240 = arith.mulf %mul3A_239, %mul3A_239 : vector<64x302xf32>
    %mul3A_241 = arith.mulf %mul3A_240, %mul3A_240 : vector<64x302xf32>
    %mul3A_242 = arith.mulf %mul3A_241, %exp3A_238 : vector<64x302xf32>
    %mul3A_243 = arith.mulf %mul3A_241, %mul3A_241 : vector<64x302xf32>
    %mul3A_244 = arith.mulf %mul3A_243, %mul3A_243 : vector<64x302xf32>
    %mul3A_245 = arith.mulf %exp3A_231, %exp3A_231 : vector<64x302xf32>
    %mul3A_246 = arith.constant 54.5981483 : f32
    %mul3A_247 = vector.broadcast %mul3A_246 : f32 to vector<64x302xf32>
    %mul3A_248 = arith.mulf %mul3A_247, %mul3A_245 : vector<64x302xf32>
    %add3A_249 = arith.constant 1.000000e+00 : f32
    %add3A_250 = vector.broadcast %add3A_249 : f32 to vector<64x302xf32>
    %add3A_251 = arith.addf %add3A_250, %mul3A_248 : vector<64x302xf32>
    %div3A_252 = arith.constant 1.000000e+00 : f32
    %div3A_253 = vector.broadcast %div3A_252 : f32 to vector<64x302xf32>
    %div3A_254 = arith.divf %div3A_253, %add3A_251 : vector<64x302xf32>
    %convert_element_type3A_255 = arith.truncf %div3A_254 : vector<64x302xf32> to vector<64x302xbf16>
    %convert_element_type3A_256 = arith.extf %convert_element_type3A_255 : vector<64x302xbf16> to vector<64x302xf32>
    %sub3A_257 = arith.subf %div3A_254, %convert_element_type3A_256 : vector<64x302xf32>
    %convert_element_type3A_258 = arith.truncf %sub3A_257 : vector<64x302xf32> to vector<64x302xbf16>
    %dot_general3A_259 = arith.constant dense<0.000000e+00> : vector<64x302xf32>
    %dot_general3A_260 = tpu.matmul %convert_element_type3A_255, %get3A_3, %dot_general3A_259 {dimension_numbers = #tpu.dot_dimension_numbers<[1], [0], [0], [1], [0, 0, 1, 1], [], []>, transpose_lhs_hint = false} : vector<64x302xbf16>, vector<302x302xbf16>, vector<64x302xf32> -> vector<64x302xf32>
    %dot_general3A_261 = arith.constant dense<0.000000e+00> : vector<64x302xf32>
    %dot_general3A_262 = tpu.matmul %convert_element_type3A_255, %get3A_6, %dot_general3A_261 {dimension_numbers = #tpu.dot_dimension_numbers<[1], [0], [0], [1], [0, 0, 1, 1], [], []>, transpose_lhs_hint = false} : vector<64x302xbf16>, vector<302x302xbf16>, vector<64x302xf32> -> vector<64x302xf32>
    %add3A_263 = arith.addf %dot_general3A_260, %dot_general3A_262 : vector<64x302xf32>
    %dot_general3A_264 = arith.constant dense<0.000000e+00> : vector<64x302xf32>
    %dot_general3A_265 = tpu.matmul %convert_element_type3A_258, %get3A_3, %dot_general3A_264 {dimension_numbers = #tpu.dot_dimension_numbers<[1], [0], [0], [1], [0, 0, 1, 1], [], []>, transpose_lhs_hint = false} : vector<64x302xbf16>, vector<302x302xbf16>, vector<64x302xf32> -> vector<64x302xf32>
    %add3A_266 = arith.addf %add3A_263, %dot_general3A_265 : vector<64x302xf32>
    %sub3A_267 = arith.constant 0.000000e+00 : f32
    %sub3A_268 = vector.broadcast %sub3A_267 : f32 to vector<64x302xf32>
    %sub3A_269 = arith.subf %sub3A_268, %add3A_118 : vector<64x302xf32>
    %mul3A_270 = arith.mulf %sub3A_269, %add3A_266 : vector<64x302xf32>
    %convert_element_type3A_271 = arith.truncf %add3A_118 : vector<64x302xf32> to vector<64x302xbf16>
    %convert_element_type3A_272 = arith.extf %convert_element_type3A_271 : vector<64x302xbf16> to vector<64x302xf32>
    %sub3A_273 = arith.subf %add3A_118, %convert_element_type3A_272 : vector<64x302xf32>
    %convert_element_type3A_274 = arith.truncf %sub3A_273 : vector<64x302xf32> to vector<64x302xbf16>
    %dot_general3A_275 = arith.constant dense<0.000000e+00> : vector<64x302xf32>
    %dot_general3A_276 = tpu.matmul %convert_element_type3A_271, %get3A_9, %dot_general3A_275 {dimension_numbers = #tpu.dot_dimension_numbers<[1], [0], [0], [1], [0, 0, 1, 1], [], []>, transpose_lhs_hint = false} : vector<64x302xbf16>, vector<302x302xbf16>, vector<64x302xf32> -> vector<64x302xf32>
    %dot_general3A_277 = arith.constant dense<0.000000e+00> : vector<64x302xf32>
    %dot_general3A_278 = tpu.matmul %convert_element_type3A_271, %get3A_12, %dot_general3A_277 {dimension_numbers = #tpu.dot_dimension_numbers<[1], [0], [0], [1], [0, 0, 1, 1], [], []>, transpose_lhs_hint = false} : vector<64x302xbf16>, vector<302x302xbf16>, vector<64x302xf32> -> vector<64x302xf32>
    %add3A_279 = arith.addf %dot_general3A_276, %dot_general3A_278 : vector<64x302xf32>
    %dot_general3A_280 = arith.constant dense<0.000000e+00> : vector<64x302xf32>
    %dot_general3A_281 = tpu.matmul %convert_element_type3A_274, %get3A_9, %dot_general3A_280 {dimension_numbers = #tpu.dot_dimension_numbers<[1], [0], [0], [1], [0, 0, 1, 1], [], []>, transpose_lhs_hint = false} : vector<64x302xbf16>, vector<302x302xbf16>, vector<64x302xf32> -> vector<64x302xf32>
    %add3A_282 = arith.addf %add3A_279, %dot_general3A_281 : vector<64x302xf32>
    %neg3A_283 = arith.constant 0.000000e+00 : f32
    %neg3A_284 = vector.broadcast %neg3A_283 : f32 to vector<64x302xf32>
    %neg3A_285 = arith.subf %neg3A_284, %add3A_282 : vector<64x302xf32>
    %mul3A_286 = arith.mulf %min3A_180, %min3A_180 : vector<64x302xf32>
    %mul3A_287 = arith.mulf %mul3A_286, %min3A_180 : vector<64x302xf32>
    %mul3A_288 = arith.constant 1.200000e+02 : f32
    %mul3A_289 = vector.broadcast %mul3A_288 : f32 to vector<64x302xf32>
    %mul3A_290 = arith.mulf %mul3A_289, %mul3A_287 : vector<64x302xf32>
    %mul3A_291 = arith.mulf %mul3A_290, %min3A_196 : vector<64x302xf32>
    %sub3A_292 = arith.constant 5.000000e+01 : f32
    %sub3A_293 = vector.broadcast %sub3A_292 : f32 to vector<64x302xf32>
    %sub3A_294 = arith.subf %add3A_118, %sub3A_293 : vector<64x302xf32>
    %mul3A_295 = arith.mulf %mul3A_291, %sub3A_294 : vector<64x302xf32>
    %mul3A_296 = arith.mulf %min3A_212, %min3A_212 : vector<64x302xf32>
    %mul3A_297 = arith.mulf %mul3A_296, %mul3A_296 : vector<64x302xf32>
    %mul3A_298 = arith.constant 3.600000e+01 : f32
    %mul3A_299 = vector.broadcast %mul3A_298 : f32 to vector<64x302xf32>
    %mul3A_300 = arith.mulf %mul3A_299, %mul3A_297 : vector<64x302xf32>
    %sub3A_301 = arith.constant -7.700000e+01 : f32
    %sub3A_302 = vector.broadcast %sub3A_301 : f32 to vector<64x302xf32>
    %sub3A_303 = arith.subf %add3A_118, %sub3A_302 : vector<64x302xf32>
    %mul3A_304 = arith.mulf %mul3A_300, %sub3A_303 : vector<64x302xf32>
    %sub3A_305 = arith.constant -5.438700e+01 : f32
    %sub3A_306 = vector.broadcast %sub3A_305 : f32 to vector<64x302xf32>
    %sub3A_307 = arith.subf %add3A_118, %sub3A_306 : vector<64x302xf32>
    %mul3A_308 = arith.constant 3.000000e-01 : f32
    %mul3A_309 = vector.broadcast %mul3A_308 : f32 to vector<64x302xf32>
    %mul3A_310 = arith.mulf %mul3A_309, %sub3A_307 : vector<64x302xf32>
    %add3A_311 = arith.addf %get3A_224, %mul3A_270 : vector<64x302xf32>
    %add3A_312 = arith.addf %add3A_311, %neg3A_285 : vector<64x302xf32>
    %sub3A_313 = arith.subf %add3A_312, %mul3A_295 : vector<64x302xf32>
    %sub3A_314 = arith.subf %sub3A_313, %mul3A_304 : vector<64x302xf32>
    %sub3A_315 = arith.subf %sub3A_314, %mul3A_310 : vector<64x302xf32>
    %mul3A_316 = arith.constant 5.000000e-02 : f32
    %mul3A_317 = vector.broadcast %mul3A_316 : f32 to vector<64x302xf32>
    %mul3A_318 = arith.mulf %mul3A_317, %sub3A_315 : vector<64x302xf32>
    %add3A_319 = arith.addf %add3A_118, %mul3A_318 : vector<64x302xf32>
    %add3A_320 = arith.constant 4.000000e+01 : f32
    %add3A_321 = vector.broadcast %add3A_320 : f32 to vector<64x302xf32>
    %add3A_322 = arith.addf %add3A_118, %add3A_321 : vector<64x302xf32>
    %mul3A_323 = arith.constant 1.000000e-01 : f32
    %mul3A_324 = vector.broadcast %mul3A_323 : f32 to vector<64x302xf32>
    %mul3A_325 = arith.mulf %mul3A_324, %add3A_322 : vector<64x302xf32>
    %sub3A_326 = arith.constant 1.000000e+00 : f32
    %sub3A_327 = vector.broadcast %sub3A_326 : f32 to vector<64x302xf32>
    %sub3A_328 = arith.subf %sub3A_327, %exp3A_231 : vector<64x302xf32>
    %add3A_329 = arith.constant 9.99999971E-10 : f32
    %add3A_330 = vector.broadcast %add3A_329 : f32 to vector<64x302xf32>
    %add3A_331 = arith.addf %sub3A_328, %add3A_330 : vector<64x302xf32>
    %div3A_332 = arith.divf %mul3A_325, %add3A_331 : vector<64x302xf32>
    %mul3A_333 = arith.mulf %mul3A_244, %mul3A_241 : vector<64x302xf32>
    %mul3A_334 = arith.constant 4.000000e+00 : f32
    %mul3A_335 = vector.broadcast %mul3A_334 : f32 to vector<64x302xf32>
    %mul3A_336 = arith.mulf %mul3A_335, %mul3A_333 : vector<64x302xf32>
    %mul3A_337 = arith.mulf %mul3A_244, %mul3A_240 : vector<64x302xf32>
    %mul3A_338 = arith.constant 7.000000e-02 : f32
    %mul3A_339 = vector.broadcast %mul3A_338 : f32 to vector<64x302xf32>
    %mul3A_340 = arith.mulf %mul3A_339, %mul3A_337 : vector<64x302xf32>
    %mul3A_341 = arith.constant 1.64872122 : f32
    %mul3A_342 = vector.broadcast %mul3A_341 : f32 to vector<64x302xf32>
    %mul3A_343 = arith.mulf %mul3A_342, %exp3A_231 : vector<64x302xf32>
    %add3A_344 = arith.constant 1.000000e+00 : f32
    %add3A_345 = vector.broadcast %add3A_344 : f32 to vector<64x302xf32>
    %add3A_346 = arith.addf %add3A_345, %mul3A_343 : vector<64x302xf32>
    %div3A_347 = arith.constant 1.000000e+00 : f32
    %div3A_348 = vector.broadcast %div3A_347 : f32 to vector<64x302xf32>
    %div3A_349 = arith.divf %div3A_348, %add3A_346 : vector<64x302xf32>
    %add3A_350 = arith.constant 5.500000e+01 : f32
    %add3A_351 = vector.broadcast %add3A_350 : f32 to vector<64x302xf32>
    %add3A_352 = arith.addf %add3A_118, %add3A_351 : vector<64x302xf32>
    %mul3A_353 = arith.constant 0.00999999977 : f32
    %mul3A_354 = vector.broadcast %mul3A_353 : f32 to vector<64x302xf32>
    %mul3A_355 = arith.mulf %mul3A_354, %add3A_352 : vector<64x302xf32>
    %mul3A_356 = arith.constant 0.223130167 : f32
    %mul3A_357 = vector.broadcast %mul3A_356 : f32 to vector<64x302xf32>
    %mul3A_358 = arith.mulf %mul3A_357, %exp3A_231 : vector<64x302xf32>
    %sub3A_359 = arith.constant 1.000000e+00 : f32
    %sub3A_360 = vector.broadcast %sub3A_359 : f32 to vector<64x302xf32>
    %sub3A_361 = arith.subf %sub3A_360, %mul3A_358 : vector<64x302xf32>
    %add3A_362 = arith.constant 9.99999971E-10 : f32
    %add3A_363 = vector.broadcast %add3A_362 : f32 to vector<64x302xf32>
    %add3A_364 = arith.addf %sub3A_361, %add3A_363 : vector<64x302xf32>
    %div3A_365 = arith.divf %mul3A_355, %add3A_364 : vector<64x302xf32>
    %mul3A_366 = arith.constant 1.250000e-01 : f32
    %mul3A_367 = vector.broadcast %mul3A_366 : f32 to vector<64x302xf32>
    %mul3A_368 = arith.mulf %mul3A_367, %mul3A_242 : vector<64x302xf32>
    %sub3A_369 = arith.constant 1.000000e+00 : f32
    %sub3A_370 = vector.broadcast %sub3A_369 : f32 to vector<64x302xf32>
    %sub3A_371 = arith.subf %sub3A_370, %min3A_180 : vector<64x302xf32>
    %mul3A_372 = arith.mulf %div3A_332, %sub3A_371 : vector<64x302xf32>
    %mul3A_373 = arith.mulf %mul3A_336, %min3A_180 : vector<64x302xf32>
    %sub3A_374 = arith.subf %mul3A_372, %mul3A_373 : vector<64x302xf32>
    %mul3A_375 = arith.constant 5.000000e-02 : f32
    %mul3A_376 = vector.broadcast %mul3A_375 : f32 to vector<64x302xf32>
    %mul3A_377 = arith.mulf %mul3A_376, %sub3A_374 : vector<64x302xf32>
    %add3A_378 = arith.addf %min3A_180, %mul3A_377 : vector<64x302xf32>
    %jit3A_379 = arith.constant 0.000000e+00 : f32
    %jit3A_380 = arith.constant 1.000000e+00 : f32
    %max3A_381 = vector.broadcast %jit3A_379 : f32 to vector<64x302xf32>
    %max3A_382 = arith.maximumf %max3A_381, %add3A_378 : vector<64x302xf32>
    %min3A_383 = vector.broadcast %jit3A_380 : f32 to vector<64x302xf32>
    %min3A_384 = arith.minimumf %min3A_383, %max3A_382 : vector<64x302xf32>
    %sub3A_385 = arith.constant 1.000000e+00 : f32
    %sub3A_386 = vector.broadcast %sub3A_385 : f32 to vector<64x302xf32>
    %sub3A_387 = arith.subf %sub3A_386, %min3A_196 : vector<64x302xf32>
    %mul3A_388 = arith.mulf %mul3A_340, %sub3A_387 : vector<64x302xf32>
    %mul3A_389 = arith.mulf %div3A_349, %min3A_196 : vector<64x302xf32>
    %sub3A_390 = arith.subf %mul3A_388, %mul3A_389 : vector<64x302xf32>
    %mul3A_391 = arith.constant 5.000000e-02 : f32
    %mul3A_392 = vector.broadcast %mul3A_391 : f32 to vector<64x302xf32>
    %mul3A_393 = arith.mulf %mul3A_392, %sub3A_390 : vector<64x302xf32>
    %add3A_394 = arith.addf %min3A_196, %mul3A_393 : vector<64x302xf32>
    %jit3A_395 = arith.constant 0.000000e+00 : f32
    %jit3A_396 = arith.constant 1.000000e+00 : f32
    %max3A_397 = vector.broadcast %jit3A_395 : f32 to vector<64x302xf32>
    %max3A_398 = arith.maximumf %max3A_397, %add3A_394 : vector<64x302xf32>
    %min3A_399 = vector.broadcast %jit3A_396 : f32 to vector<64x302xf32>
    %min3A_400 = arith.minimumf %min3A_399, %max3A_398 : vector<64x302xf32>
    %sub3A_401 = arith.constant 1.000000e+00 : f32
    %sub3A_402 = vector.broadcast %sub3A_401 : f32 to vector<64x302xf32>
    %sub3A_403 = arith.subf %sub3A_402, %min3A_212 : vector<64x302xf32>
    %mul3A_404 = arith.mulf %div3A_365, %sub3A_403 : vector<64x302xf32>
    %mul3A_405 = arith.mulf %mul3A_368, %min3A_212 : vector<64x302xf32>
    %sub3A_406 = arith.subf %mul3A_404, %mul3A_405 : vector<64x302xf32>
    %mul3A_407 = arith.constant 5.000000e-02 : f32
    %mul3A_408 = vector.broadcast %mul3A_407 : f32 to vector<64x302xf32>
    %mul3A_409 = arith.mulf %mul3A_408, %sub3A_406 : vector<64x302xf32>
    %add3A_410 = arith.addf %min3A_212, %mul3A_409 : vector<64x302xf32>
    %jit3A_411 = arith.constant 0.000000e+00 : f32
    %jit3A_412 = arith.constant 1.000000e+00 : f32
    %max3A_413 = vector.broadcast %jit3A_411 : f32 to vector<64x302xf32>
    %max3A_414 = arith.maximumf %max3A_413, %add3A_410 : vector<64x302xf32>
    %min3A_415 = vector.broadcast %jit3A_412 : f32 to vector<64x302xf32>
    %min3A_416 = arith.minimumf %min3A_415, %max3A_414 : vector<64x302xf32>
    %swap3A_417 = arith.constant 0 : index
    %swap3A_418 = arith.constant 0 : index
    %swap3A_419 = arith.constant 1 : index
    %swap3A_420 = arith.constant 0 : index
    %swap3A_421 = vector.load %arg11[%swap3A_417, %swap3A_418, %swap3A_419, %swap3A_420] : memref<64x1x2x302xf32, #tpu.memory_space<vmem>>, vector<64x1x1x302xf32>
    %swap3A_422 = vector.shape_cast %swap3A_421 : vector<64x1x1x302xf32> to vector<64x302xf32>
    %swap3A_423 = vector.shape_cast %add3A_319 : vector<64x302xf32> to vector<64x1x1x302xf32>
    tpu.vector_store %arg11[%swap3A_417, %swap3A_418, %swap3A_419, %swap3A_420], %swap3A_423 {strides = array<i32>} : memref<64x1x2x302xf32, #tpu.memory_space<vmem>>, vector<64x1x1x302xf32>,
    %swap3A_424 = arith.constant 0 : index
    %swap3A_425 = arith.constant 0 : index
    %swap3A_426 = vector.load %arg12[%swap3A_424, %swap3A_425] : memref<64x302xf32, #tpu.memory_space<vmem>>, vector<64x302xf32>
    tpu.vector_store %arg12[%swap3A_424, %swap3A_425], %add3A_319 {strides = array<i32>} : memref<64x302xf32, #tpu.memory_space<vmem>>, vector<64x302xf32>,
    %swap3A_427 = arith.constant 0 : index
    %swap3A_428 = arith.constant 0 : index
    %swap3A_429 = vector.load %arg13[%swap3A_427, %swap3A_428] : memref<64x302xf32, #tpu.memory_space<vmem>>, vector<64x302xf32>
    tpu.vector_store %arg13[%swap3A_427, %swap3A_428], %min3A_384 {strides = array<i32>} : memref<64x302xf32, #tpu.memory_space<vmem>>, vector<64x302xf32>,
    %swap3A_430 = arith.constant 0 : index
    %swap3A_431 = arith.constant 0 : index
    %swap3A_432 = vector.load %arg14[%swap3A_430, %swap3A_431] : memref<64x302xf32, #tpu.memory_space<vmem>>, vector<64x302xf32>
    tpu.vector_store %arg14[%swap3A_430, %swap3A_431], %min3A_400 {strides = array<i32>} : memref<64x302xf32, #tpu.memory_space<vmem>>, vector<64x302xf32>,
    %swap3A_433 = arith.constant 0 : index
    %swap3A_434 = arith.constant 0 : index
    %swap3A_435 = vector.load %arg15[%swap3A_433, %swap3A_434] : memref<64x302xf32, #tpu.memory_space<vmem>>, vector<64x302xf32>
    tpu.vector_store %arg15[%swap3A_433, %swap3A_434], %min3A_416 {strides = array<i32>} : memref<64x302xf32, #tpu.memory_space<vmem>>, vector<64x302xf32>,
    return
  }
  func.func @transform_0(%arg0: i32, %arg1: i32) -> (i32, i32) {
    %c0_i32 = arith.constant 0 : i32
    %c0_i32_0 = arith.constant 0 : i32
    %c0_i32_1 = arith.constant 0 : i32
    return %c0_i32, %c0_i32_0 : i32, i32
  }
  func.func @transform_1(%arg0: i32, %arg1: i32) -> (i32, i32) {
    %c0_i32 = arith.constant 0 : i32
    %c0_i32_0 = arith.constant 0 : i32
    %c0_i32_1 = arith.constant 0 : i32
    return %c0_i32, %c0_i32_0 : i32, i32
  }
  func.func @transform_2(%arg0: i32, %arg1: i32) -> (i32, i32) {
    %c0_i32 = arith.constant 0 : i32
    %c0_i32_0 = arith.constant 0 : i32
    %c0_i32_1 = arith.constant 0 : i32
    return %c0_i32, %c0_i32_0 : i32, i32
  }
  func.func @transform_3(%arg0: i32, %arg1: i32) -> (i32, i32) {
    %c0_i32 = arith.constant 0 : i32
    %c0_i32_0 = arith.constant 0 : i32
    %c0_i32_1 = arith.constant 0 : i32
    return %c0_i32, %c0_i32_0 : i32, i32
  }
  func.func @transform_4(%arg0: i32, %arg1: i32) -> (i32, i32) {
    %c0_i32 = arith.constant 0 : i32
    %c0_i32_0 = arith.constant 0 : i32
    %c0_i32_1 = arith.constant 0 : i32
    return %c0_i32, %c0_i32_0 : i32, i32
  }
  func.func @transform_5(%arg0: i32, %arg1: i32) -> (i32, i32) {
    %c0_i32 = arith.constant 0 : i32
    %c0_i32_0 = arith.constant 0 : i32
    %c0_i32_1 = arith.constant 0 : i32
    return %c0_i32, %c0_i32_0 : i32, i32
  }
  func.func @transform_6(%arg0: i32, %arg1: i32) -> (i32, i32) {
    %c0_i32 = arith.constant 0 : i32
    %c0_i32_0 = arith.constant 0 : i32
    %c0_i32_1 = arith.constant 0 : i32
    return %c0_i32, %c0_i32_0 : i32, i32
  }
  func.func @transform_7(%arg0: i32, %arg1: i32) -> (i32, i32) {
    %c0_i32 = arith.constant 0 : i32
    %c0_i32_0 = arith.constant 0 : i32
    %c0_i32_1 = arith.constant 0 : i32
    return %c0_i32, %c0_i32_0 : i32, i32
  }
  func.func @transform_8(%arg0: i32, %arg1: i32) -> (i32, i32, i32, i32) {
    %c0_i32 = arith.constant 0 : i32
    %c0_i32_0 = arith.constant 0 : i32
    %c0_i32_1 = arith.constant 0 : i32
    return %arg0, %arg1, %c0_i32, %c0_i32_0 : i32, i32, i32, i32
  }
  func.func @transform_9(%arg0: i32, %arg1: i32) -> (i32, i32, i32, i32) {
    %c0_i32 = arith.constant 0 : i32
    %c0_i32_0 = arith.constant 0 : i32
    %c0_i32_1 = arith.constant 0 : i32
    return %arg0, %arg1, %c0_i32, %c0_i32_0 : i32, i32, i32, i32
  }
}

</mosaic_0001>

<sc_bundles>
// kernel: sparse-core-data-format-call.cloned.1.call-start
scs
called_computation_lowered:
.L_overlay_start_0:
0x0: {  	s2 =	sld [smem:$0x3FD9]  }
0x1: {  	s3 =	sld [smem:$0x3FFE];
	_ =	sdelay $0x1  }
0x2: {  	s1 =	srdreg.scid  }
0x3: {  	s0 =	sand.u32 $0x1, s1  }
0x4: {  	s18 =	sshll.u32 s0, $0xA;
	s2 =	sadd.s32 s3, s2  }
0x5: {  	s2 =	sadd.s32 s2, s18  }
0x6: {  	[smem:$0x3FC1] =	sst s2  }
0x7: {  	_ = 	snop  }
0x8: {  	s2 =	sld [smem:$0x3FD0];
	(tm) =	ssettm $0x1  }
0x9: {  	s19 =	sld [smem:$0x3FFB];
	_ =	sdelay $0x3  }
0xa: {  	_ =	strace s19  }
0xb: {  	s3 =	sld [smem:$0x3FFC];
	_ =	sdelay $0x3  }
0xc: {  	_ =	strace s3  }
0xd: {  	s3 =	sld [smem:$0x3FFD];
	_ =	sdelay $0x3  }
0xe: {  	_ =	strace s3  }
0xf: {  	_ =	strace $0x8FFFFFFF  }
0x10: {  	s20 =	sld [smem:$0x3FDB];
	_ =	sdelay $0x1  }
0x11: {  	s4 =	simm.s32 $_scs_section_size  }
0x12: {  	s5 =	simm.s32 $_size__tile_overlayer_lowered;
	s6 =	simm.s32 $_tile_overlayer_lowered  }
0x13: {  	s23 =	simm.s32 $0x1BFF;
	s22 =	sshll.u32 s6, $0x1;
	s3 =	sadd.s32 s4, s20  }
0x14: {  	s7 =	simm.s32 $0x0;
	s21 =	sshll.u32 s5, $0x1;
	s5 =	sadd.s32 s22, s3  }
0x15: {  	[timem:s7], [sflag:s23] =	dma.local [hbm:s5], s21  }
0x16: {  	_ =	swait.ge [sflag:s23], s21  }
0x17: {  	s4 =	ssub.s32 $0x0, s21;
	[sflag:s23] =	ssyncset.done $0x0  }
0x18: {  	[sflag:s23] =	ssyncadd.s32 s4;
	_ =	sdelay $0x1  }
0x19: {  	s24 =	simm.s32 $0x1B8B  }
0x1a: {  	_ =	swait.ge [sflag:s24], $0x1  }
0x1b: {  	[sflag:s24] =	ssyncset.done $0x0  }
0x1c: {  	s26 =	simm.s32 $0x1B8E;
	s25 =	sld [smem:$0x3FFE];
	[sflag:s24] =	ssyncadd.s32 $0xFFFFFFFF  }
0x1d: {  	s27 =	simm.s32 $execute0_lowered;
	[smem:$0x3FD2] =	sst s26  }
0x1e: {  	s5 =	sshll.u32 s27, $0x1;
	_ =	strace $0x80000046;
	[dreg:$0x1] =	wrdreg $0xFFFFFFFF  }
0x1f: {  	s28 =	simm.s32 $_size_execute0_lowered;
	s3 =	sadd.s32 s3, s5;
	[dreg:$0x0] =	wrdreg $0x0  }
0x20: {  	s5 =	sshll.u32 s28, $0x1;
	[dreg:$0x2] =	wrdreg s3  }
0x21: {  	[dreg:$0x3] =	wrdreg s5  }
0x22: {  	[dreg:$0x4] =	wrdreg $0xC0  }
0x23: {  	_ =	task [dreg:s7], $0x5FFFF  }
0x24: {  	[dreg:$0x1] =	wrdreg $0xFFFFFFFF  }
0x25: {  	[dreg:$0x0] =	wrdreg $0x60  }
0x26: {  	[dreg:$0x2] =	wrdreg s25  }
0x27: {  	[dreg:$0x3] =	wrdreg s2  }
0x28: {  	[dreg:$0x4] =	wrdreg $0x9  }
0x29: {  	_ =	task.clear_ibuf [dreg:s7], $0x5FFFF;
	_ =	strace $0x90000046  }
0x2a: {  	s29 =	simm.s32 $0x9;
	_ =	strace $0x80000048  }
0x2b: {  	_ =	swait.ge [sflag:s29], $0x1  }
0x2c: {  	[sflag:s29] =	ssyncadd.s32 $0xFFFFFFFF  }
0x2d: {  	_ =	strace $0x90000048  }
0x2e: {  	_ =	sfence  }
0x2f: {  	s30 =	sld [smem:$0x0];
	_ =	sdelay $0x2  }
0x30: {  	s31 =	sshll.u32 s1, $0xD;
	s1 =	sshrl.u32 s1, $0x2  }
0x31: {  	s3 =	sand.u32 $0x4000, s31;
	s1 =	sadd.s32 s1, s30  }
0x32: {  	s0 =	sor.u32 s3, s0;
	s1 =	sshll.u32 s1, $0x11  }
0x33: {  	s0 =	sor.u32 s1, s0  }
0x34: {  	s0 =	sadd.s32 $0x8F2B, s0  }
0x35: {  	[sflag:s0] =	ssyncadd.remote.s32 $0x1  }
0x36: {  	_ =	sfence.sel $0xFFFF  }
0x37: {  	[dreg:$0x0] =	wrdreg $0xFFFFFFFF;
	(pc) =	sbr.abs _section_cstart, $3  }
0x38: {  	[dreg:$0x1] =	wrdreg $0xFFFFFFFF  }
0x39: {  	_ =	task.clear_ibuf [dreg:s7], $0x2FFFF;
	_ =	strace $0x9FFFFFFF  }
0x3a: {  	(tm) =	ssettm $0x7FFFFFFF  }
0x3b: {  	_ =	shalt  }
tec
execute0_lowered:
.L_overlay_start_1:
0x0: {  	(tag) =	ssettag $0x1  }
0x1: {  	s0 =	rddreg [dreg:$0x0]  }
0x2: {  	s1 =	srdreg.scid;
	s2 =	stileid.u32  }
0x3: {  	_ =	strace $0x80000047;
	s29 =	simm.s32 $0x1;
	s31 =	simm.s32 $0x2  }
0x4: {  	s15 =	simm.s32 $0x0;
	p0 =	por $0x0, $0x0;
	s17 =	simm.s32 $0x0  }
0x5: {  	s16 =	simm.s32 $0x0;
	s8 =	simm.s32 $0x0;
	s10 =	simm.s32 $0x0  }
0x6: {  	s11 =	simm.s32 $0x0;
	s12 =	simm.s32 $0x0;
	s9 =	simm.s32 $0x0  }
.Ltmp0:
0x7: {  	s1 =	sshll.u32 s1, $0x4;
	s7 =	sadd.s32 $0x177A00, s0;
	(pc) =	sbr.rel .LBB1_1-.Ltmp0, $4  }
0x8: {  	s30 =	sshll.u32 s2, $0x7;
	[sflag:s29] =	ssyncpa.u1 $0x0;
	s1 =	sand.u32 $0x10, s1  }
0x9: {  	s19 =	sand.u32 $0x180, s30;
	[dreg:$0x3] =	wrdreg s7;
	s1 =	sor.u32 s2, s1  }
0xa: {  	[sflag:s31] =	ssyncpa.u1 $0x0;
	[dreg:$0x5] =	wrdreg s19;
	s18 =	sshrl.u32 s1, $0x2  }
0xb: {  	s14 =	smov.u32 s19;
	s13 =	smov.u32 s18;
	[dreg:$0x4] =	wrdreg s18  }
.LBB1_14:
0xc: {  	s0 =	sshll.u32 s10, $0x9;
	s1 =	sshll.u32 s11, $0x3  }
0xd: {  	s2 =	smul.u32 $0x4080, s23;
	p1 =	sgt.s32 s11, $0x180;
	s3 =	sshll.u32 s10, $0x7  }
0xe: {  	s4 =	smov.u32 s8;
	s6 =	sand.u32 $0x78, s11;
	s26 =	sshll.u32 s8, $0xC  }
0xf: {  	s27 =	rddreg [dreg:$0x1];
	s28 =	sand.u32 $0x7, s11;
	s31 =	simm.s32 $0x8000  }
0x10: {  	s7 =	rddreg [dreg:$0x3];
	s0 =	sand.u32 $0x7000, s0;
	s1 =	sand.u32 $0x7C00, s1  }
0x11: {  	s5 =	sand.u32 $0x200, s3;
	s0 =	sadd.s32 s1, s0;
	s1 =	smov.u32 s11  }
0x12: {  	s3 =	sand.u32 $0x180, s3;
	s29 =	sshll.u32 s28, $0x12;
	s1 =	simm.s32 @!p1 $0x180  }
0x13: {  	s3 =	sor.u32 s6, s3;
	p1 =	sgt.s32 s8, $0xAE;
	s1 =	sadd.s32 s18, s1  }
0x14: {  	s2 =	sor.u32 $0x8000, s2;
	s4 =	simm.s32 @!p1 $0xAE;
	s24 =	sadd.s32 $0xFFFFFE80, s1  }
0x15: {  	s4 =	sadd.s32 s20, s4;
	s1 =	ssub.s32 $0x200, s1;
	p1 =	sgt.s32 s24, $0x7F  }
0x16: {  	s30 =	sor.u32 $0x80, s29;
	s25 =	sadd.s32 $0xFFFFFF52, s4;
	s1 =	simm.s32 @p1 $0x0  }
0x17: {  	s4 =	ssub.s32 $0x12E, s4;
	p1 =	sgt.s32 s25, $0x7F;
	s1 =	smul.u32 s1, s19  }
0x18: {  	s0 =	sor.u32 s5, s0;
	s3 =	sshrl.u32 s3, $0x3;
	s4 =	simm.s32 @p1 $0x0  }
0x19: {  	s0 =	sshrl.u32 s0, $0x3;
	s1 =	smul.u32 s4, s1;
	s4 =	sadd.s32 s27, s26  }
0x1a: {  	s18 =	rddreg [dreg:$0x4];
	s0 =	sand.u32 $0xFC0, s0;
	s3 =	sadd.s32 s3, s4  }
0x1b: {  	s19 =	rddreg [dreg:$0x5];
	s1 =	sand.u32 $0x3FFFFFFF, s1;
	s0 =	sadd.s32 s0, s3  }
0x1c: {  	[hbm4b:s0+s30] =	stream.strided.scatter [tilespmem:s2], [sflag:$0x2], s1, s31, s30, $0x20;
	[tilespmem:$0x10100] =	vst v63  }
.LBB1_15:
0x1d: {  	p1 =	slt.u32 s9, $0x2;
	s1 =	smov.u32 s17  }
0x1e: {  	p2 =	sgt.s32 @!p1 s15, $0xAE;
	s0 =	sshra.s32 @!p1 s15, $0x1F;
	p3 =	sgt.s32 @!p1 s17, $0x3F  }
0x1f: {  	s2 =	sshra.s32 @!p1 s17, $0x1F;
	s3 =	sshra.s32 @!p1 s16, $0x1F;
	p2 =	por !p2, p1  }
0x20: {  	s0 =	sand.u32 @!p1 s0, s15;
	p3 =	por !p3, p1;
	s2 =	sand.u32 @!p1 s2, s17  }
0x21: {  	s1 =	simm.s32 @p3 $0x3F;
	p3 =	sgt.s32 @!p1 s16, $0x180;
	s15 =	simm.s32 @p2 $0xAE  }
0x22: {  	s1 =	ssub.s32 @!p1 s1, s2;
	p3 =	por !p3, p1;
	s2 =	smov.u32 s16  }
0x23: {  	s3 =	sand.u32 @!p1 s3, s16;
	s0 =	ssub.s32 @!p1 s15, s0;
	s2 =	simm.s32 @p3 $0x180  }
0x24: {  	s4 =	sadd.s32 @!p1 $0xFFFFFFC1, s1;
	s1 =	ssub.s32 @!p1 $0x40, s1;
	s2 =	ssub.s32 @!p1 s2, s3  }
0x25: {  	s3 =	sadd.s32 @!p1 $0xFFFFFF52, s0;
	p2 =	sgt.s32 @!p1 s4, $0x0;
	s4 =	sadd.s32 @!p1 $0xFFFFFE80, s2  }
0x26: {  	s0 =	ssub.s32 @!p1 $0x12E, s0;
	p2 =	por !p2, p1;
	p3 =	sgt.s32 @!p1 s4, $0x7F  }
0x27: {  	s2 =	ssub.s32 @!p1 $0x200, s2;
	s1 =	simm.s32 @!p2 $0x0;
	p2 =	por !p3, p1  }
0x28: {  	s4 =	smov.u32 s13;
	p3 =	sgt.s32 @!p1 s3, $0x7F;
	s2 =	simm.s32 @!p2 $0x0  }
0x29: {  	p2 =	por !p3, p1;
	s1 =	smul.u32 @!p1 s2, s1;
	s2 =	sadd.s32 $0x80, s12  }
0x2a: {  	s3 =	sadd.s32 $0x8, s13;
	s0 =	simm.s32 @!p2 $0x0;
	p2 =	sgt.s32 s2, $0x12D  }
0x2b: {  	s0 =	smul.u32 @!p1 s0, s1;
	s4 =	smov.u32 @p2 s3  }
0x2c: {  	s1 =	sadd.s32 $0x200, s14;
	s3 =	smov.u32 s14;
	p3 =	sgt.s32 s4, $0x3F  }
0x2d: {  	s9 =	sadd.s32 $0x1, s9;
	p0 =	por !p0, !p0;
	s3 =	smov.u32 @p3 s1  }
0x2e: {  	s17 =	smov.u32 s10;
	s2 =	simm.s32 @p2 $0x0;
	p2 =	sgt.s32 s3, $0x1F3  }
0x2f: {  	s10 =	smov.u32 s13;
	s3 =	smov.u32 @p2 s19;
	p2 =	sne.s32 s9, $0x1A  }
.Ltmp1:
0x30: {  	s15 =	smov.u32 s8;
	s16 =	smov.u32 s11;
	(pc) =	sbr.rel @!p2 .LBB1_16-.Ltmp1, $4  }
0x31: {  	s8 =	smov.u32 s12;
	s0 =	sand.u32 @!p1 $0x3FFFFFFF, s0;
	s1 =	simm.s32 @!p1 $0x2  }
0x32: {  	s11 =	smov.u32 s14;
	s12 =	smov.u32 s2;
	_ =	swait.ge @!p1 [sflag:s1], s0  }
0x33: {  	s4 =	smov.u32 @p3 s18;
	s0 =	ssub.s32 @!p1 $0x0, s0;
	[sflag:s1] =	ssyncset.done @!p1 $0x0  }
0x34: {  	s13 =	smov.u32 s4;
	[sflag:s1] =	ssyncadd.s32 @!p1 s0;
	s14 =	smov.u32 s3  }
.LBB1_1:
0x35: {  	p1 =	sgt.u32 s9, $0x17;
	s4 =	smov.u32 s13  }
0x36: {  	s5 =	smov.u32 s12;
	s0 =	sshrl.u32 @!p1 s13, $0x3;
	s1 =	sshll.u32 @!p1 s12, $0x3  }
0x37: {  	s2 =	sshll.u32 @!p1 s13, $0x7;
	p2 =	sgt.s32 @!p1 s14, $0x174;
	s0 =	smul.u32 @!p1 $0xC00, s0  }
0x38: {  	s3 =	sshra.s32 @!p1 s14, $0x1F;
	p3 =	sgt.s32 @!p1 s13, $0x3F;
	s1 =	sand.u32 @!p1 $0xFFFFFC00, s1  }
0x39: {  	s6 =	sshra.s32 @!p1 s12, $0x1F;
	s0 =	sadd.s32 @!p1 s0, s1;
	s1 =	sand.u32 @!p1 $0x380, s2  }
0x3a: {  	p2 =	por !p2, p1;
	s0 =	sor.u32 @!p1 s1, s0;
	s1 =	smov.u32 s14  }
0x3b: {  	s3 =	sand.u32 @!p1 s3, s14;
	s6 =	sand.u32 @!p1 s6, s12;
	s1 =	simm.s32 @p2 $0x174  }
0x3c: {  	s2 =	sand.u32 @!p1 $0x7F, s12;
	p2 =	por !p3, p1;
	s1 =	ssub.s32 @!p1 s1, s3  }
0x3d: {  	s4 =	simm.s32 @p2 $0x3F;
	p2 =	sgt.s32 @!p1 s12, $0x100;
	s3 =	sshra.s32 @!p1 s13, $0x1F  }
0x3e: {  	s2 =	sor.u32 @!p1 s2, s0;
	p2 =	por !p2, p1;
	s3 =	sand.u32 @!p1 s3, s13  }
0x3f: {  	s0 =	smulhi.u32 @!p1 $0xAAAAAAAB, s0;
	s5 =	simm.s32 @p2 $0x100;
	s3 =	ssub.s32 @!p1 s4, s3  }
0x40: {  	s4 =	sadd.s32 @!p1 $0xFFFFFE8C, s1;
	s1 =	ssub.s32 @!p1 $0x1F4, s1;
	s5 =	ssub.s32 @!p1 s5, s6  }
0x41: {  	p2 =	sgt.s32 @!p1 s4, $0x7F;
	s4 =	sadd.s32 @!p1 $0xFFFFFFC1, s3;
	s3 =	ssub.s32 @!p1 $0x40, s3  }
0x42: {  	p3 =	sgt.s32 @!p1 s4, $0x0;
	s4 =	smulhi.u32 @!p1 $0xAAAAAAAB, s2;
	p2 =	por !p2, p1  }
0x43: {  	s6 =	sadd.s32 @!p1 $0xFFFFFF00, s5;
	s1 =	simm.s32 @!p2 $0x0;
	p2 =	por !p3, p1  }
0x44: {  	p4 =	sgt.s32 @!p1 s6, $0x7F;
	s3 =	simm.s32 @!p2 $0x0;
	s4 =	sshrl.u32 @!p1 s4, $0x8  }
0x45: {  	p2 =	por !p4, p1;
	s1 =	smul.u32 @!p1 s1, s3;
	s3 =	ssub.s32 @!p1 $0x180, s5  }
0x46: {  	s4 =	smul.u32 @!p1 $0x180, s4;
	s3 =	simm.s32 @!p2 $0x0  }
0x47: {  	s0 =	sshrl.u32 @!p1 s0, $0x8;
	s5 =	sxor.u32 @!p1 $0xFFFFFFFF, s9;
	s1 =	smul.u32 @!p1 s3, s1  }
0x48: {  	s0 =	sand.u32 @!p1 $0x3F, s0;
	s3 =	sshll.u32 @!p1 s5, $0xE;
	s5 =	smul.u32 @!p1 $0xC00, s14  }
0x49: {  	s0 =	smul.u32 @!p1 $0x30, s0;
	s2 =	ssub.s32 @!p1 s2, s4;
	s3 =	sand.u32 @!p1 $0x4000, s3  }
0x4a: {  	s1 =	sand.u32 @!p1 $0x3FFFFFFF, s1;
	s4 =	sadd.s32 @!p1 s7, s5;
	s5 =	sand.u32 @!p1 $0x7, s2  }
0x4b: {  	s2 =	sshrl.u32 @!p1 s2, $0x3;
	s0 =	sadd.s32 @!p1 s0, s4;
	s4 =	sshll.u32 @!p1 s5, $0x12  }
0x4c: {  	s0 =	sadd.s32 @!p1 s2, s0;
	s2 =	sor.u32 @!p1 $0x80, s4;
	s4 =	simm.s32 @!p1 $0x6000  }
0x4d: {  	[tilespmem:s3], [sflag:$0x1] =	stream.strided.gather @!p1 [hbm4b:s0+s2], s1, s4, s2, $0x38;
	[tilespmem:$0x10100] =	vst v63  }
0x4e: {  	p1 =	seq.s32 s9, $0x0  }
0x4f: {  	p2 =	seq.s32 @!p1 s9, $0x19  }
0x50: {  	p1 =	por p1, p2  }
.Ltmp2:
0x51: {  	_ = 	snop;
	(pc) =	sbr.rel @p1 .LBB1_15-.Ltmp2, $1  }
0x52: {  	_ =	sdelay $0x3  }
0x53: {  	s0 =	ssub.s32 $0x0, s11  }
0x54: {  	s1 =	sshra.s32 s11, $0x1F;
	p1 =	sgt.s32 s11, $0x174;
	s2 =	smov.u32 s11  }
0x55: {  	s28 =	sshra.s32 s10, $0x1F;
	p2 =	sgt.s32 s8, $0x100;
	s4 =	ssub.s32 $0x0, s8  }
0x56: {  	s5 =	sshra.s32 s8, $0x1F;
	s18 =	sand.u32 s0, s1;
	s2 =	simm.s32 @!p1 $0x174  }
0x57: {  	p1 =	sgt.s32 s10, $0x3F;
	s1 =	smov.u32 s10;
	s0 =	sadd.s32 s18, s2  }
0x58: {  	s20 =	sand.u32 s4, s5;
	s1 =	simm.s32 @!p1 $0x3F;
	s3 =	sadd.s32 $0xFFFFFE8C, s0  }
0x59: {  	s2 =	sand.u32 s28, s10;
	p1 =	sgt.s32 s3, $0x7F;
	s3 =	smov.u32 s8  }
0x5a: {  	s1 =	ssub.s32 s1, s2;
	s0 =	ssub.s32 $0x1F4, s0;
	s3 =	simm.s32 @!p2 $0x100  }
0x5b: {  	s2 =	sadd.s32 $0xFFFFFFC1, s1;
	s19 =	ssub.s32 $0x40, s1;
	s29 =	sadd.s32 s20, s3  }
0x5c: {  	p2 =	sgt.s32 s2, $0x0;
	s0 =	simm.s32 @p1 $0x0;
	s30 =	sadd.s32 $0xFFFFFF00, s29  }
0x5d: {  	s2 =	sadd.s32 $0x80, s11;
	s1 =	ssub.s32 $0x180, s29;
	p1 =	sgt.s32 s30, $0x7F  }
0x5e: {  	s3 =	sadd.s32 $0x1, s10;
	s1 =	simm.s32 @p1 $0x0;
	p1 =	slt.s32 s2, $0x1F4  }
0x5f: {  	s2 =	simm.s32 @!p1 $0x1F4;
	p1 =	slt.s32 s3, $0x40  }
0x60: {  	s19 =	simm.s32 @p2 $0x0;
	s21 =	ssub.s32 s2, s11;
	s3 =	simm.s32 @!p1 $0x40  }
0x61: {  	s0 =	smul.u32 s0, s19;
	s22 =	ssub.s32 s3, s10;
	p1 =	slt.s32 s21, $0x1  }
0x62: {  	p2 =	slt.s32 @!p1 s22, $0x1  }
0x63: {  	s0 =	smul.u32 s1, s0;
	p2 =	por p1, p2  }
.Ltmp3:
0x64: {  	_ = 	snop;
	(pc) =	sbr.rel @p2 .LBB1_14-.Ltmp3, $4  }
0x65: {  	s31 =	simm.s32 $0x1;
	s0 =	sand.u32 $0x3FFFFFFF, s0  }
0x66: {  	_ =	swait.ge [sflag:s31], s0  }
0x67: {  	s0 =	ssub.s32 $0x0, s0;
	[sflag:s31] =	ssyncset.done $0x0  }
0x68: {  	s23 =	sand.u32 $0x1, s9;
	[sflag:s31] =	ssyncadd.s32 s0  }
0x69: {  	s0 =	sadd.s32 $0x80, s8  }
0x6a: {  	p2 =	slt.s32 s0, $0x12E  }
0x6b: {  	s0 =	simm.s32 @!p2 $0x12E  }
0x6c: {  	s1 =	simm.s32 $0x1;
	s0 =	ssub.s32 s0, s8  }
0x6d: {  	s1 =	simm.s32 @!p0 $0x0;
	s0 =	sadd.s32 $0xF, s0  }
0x6e: {  	s1 =	smul.u32 $0x10200, s1;
	s2 =	sshrl.u32 s0, $0x8  }
0x6f: {  	s2 =	smul.u32 $0x20400, s2  }
.Ltmp4:
0x70: {  	_ = 	snop;
	(pc) =	sbr.rel .LBB1_4-.Ltmp4, $4  }
0x71: {  	s26 =	sshll.u32 @!p1 s23, $0xE;
	s29 =	simm.s32 $0x0;
	s30 =	simm.s32 $0x0  }
0x72: {  	s24 =	sand.u32 $0xFFFFFFF0, s0;
	s25 =	sand.u32 @!p1 $0xFFFFFF00, s0;
	s2 =	sadd.s32 s1, s2  }
0x73: {  	p1 =	slt.s32 s0, $0x100;
	s1 =	sshrl.u32 s1, $0x2;
	s2 =	sshra.s32 s2, $0x2  }
0x74: {  	p2 =	sge.s32 s25, s24;
	s27 =	sor.u32 $0x8000, s1;
	s28 =	sadd.s32 $0x8000, s2  }
.LBB1_13:
0x75: {  	s30 =	sadd.s32 $0x1, s30  }
0x76: {  	p3 =	sne.s32 s30, s21  }
.Ltmp5:
0x77: {  	_ = 	snop;
	(pc) =	sbr.rel @!p3 .LBB1_14-.Ltmp5, $2  }
0x78: {  	_ =	sdelay $0x2  }
0x79: {  	s29 =	sadd.s32 $0x1, s29  }
.LBB1_4:
.Ltmp6:
0x7a: {  	(pc) =	sbr.rel .LBB1_5-.Ltmp6, $4  }
0x7b: {  	_ = 	snop  }
0x7c: {  	s0 =	sshll.u32 s30, $0x9;
	s1 =	sand.u32 $0x7F, s29  }
0x7d: {  	s2 =	simm.s32 $0x0;
	s7 =	simm.s32 $0x0;
	s0 =	sshra.s32 s0, $0x2  }
0x7e: {  	s31 =	sadd.s32 s0, s26;
	s0 =	sadd.s32 s1, s27;
	s1 =	sadd.s32 s1, s28  }
.LBB1_12:
0x7f: {  	s7 =	sadd.s32 $0x1, s7  }
0x80: {  	p3 =	sne.s32 s7, s22  }
.Ltmp7:
0x81: {  	_ = 	snop;
	(pc) =	sbr.rel @!p3 .LBB1_13-.Ltmp7, $2  }
0x82: {  	_ =	sdelay $0x2  }
0x83: {  	s2 =	sadd.s32 $0x1, s2  }
.LBB1_5:
.Ltmp8:
0x84: {  	(pc) =	sbr.rel @p1 .LBB1_9-.Ltmp8, $3  }
0x85: {  	s3 =	sand.u32 $0x7, s2  }
0x86: {  	s3 =	smul.u32 $0x204, s3;
	_ =	sdelay $0x1  }
0x87: {  	s5 =	sshrl.u32 s3, $0x2  }
0x88: {  	s3 =	sshll.u32 s7, $0x7  }
0x89: {  	s4 =	sand.u32 $0x380, s3  }
0x8a: {  	s4 =	sadd.s32 s4, s31  }
0x8b: {  	v5 =	vld [tilespmem:s4+$0x70]  }
0x8c: {  	v6 =	vld [tilespmem:s4+$0x0]  }
0x8d: {  	v7 =	vld [tilespmem:s4+$0x10]  }
0x8e: {  	v1 =	vld [tilespmem:s4+$0x20]  }
0x8f: {  	s3 =	sadd.s32 s5, s0;
	v0 =	vld [tilespmem:s4+$0x30]  }
0x90: {  	v2 =	vld [tilespmem:s4+$0x40];
	[tilespmem:s3+$0x78F0 ss:$0x81] =	vst.msk $0xffff, v5  }
0x91: {  	v3 =	vld [tilespmem:s4+$0x50];
	[tilespmem:s3+$0x0 ss:$0x81] =	vst.msk $0xffff, v6  }
0x92: {  	v4 =	vld [tilespmem:s4+$0x60];
	[tilespmem:s3+$0x810 ss:$0x81] =	vst.msk $0xffff, v7  }
0x93: {  	[tilespmem:s3+$0x1020 ss:$0x81] =	vst.msk $0xffff, v1  }
0x94: {  	[tilespmem:s3+$0x1830 ss:$0x81] =	vst.msk $0xffff, v0  }
0x95: {  	p3 =	sgt.s32 s25, $0x100;
	[tilespmem:s3+$0x2040 ss:$0x81] =	vst.msk $0xffff, v2  }
.Ltmp9:
0x96: {  	[tilespmem:s3+$0x2850 ss:$0x81] =	vst.msk $0xffff, v3;
	(pc) =	sbr.rel @!p3 .LBB1_8-.Ltmp9, $4  }
0x97: {  	[tilespmem:s3+$0x3060 ss:$0x81] =	vst.msk $0xffff, v4  }
0x98: {  	[tilespmem:s3+$0x3870 ss:$0x81] =	vst.msk $0xffff, v5  }
0x99: {  	[tilespmem:s3+$0x4080 ss:$0x81] =	vst.msk $0xffff, v6  }
0x9a: {  	s6 =	simm.s32 $0x100;
	[tilespmem:s3+$0x4890 ss:$0x81] =	vst.msk $0xffff, v7  }
.LBB1_7:
0x9b: {  	v5 =	vld [tilespmem:s4+$0x70];
	s6 =	sadd.s32 $0x100, s6;
	[tilespmem:s3+$0x50A0 ss:$0x81] =	vst.msk $0xffff, v1  }
0x9c: {  	v6 =	vld [tilespmem:s4+$0x0];
	p3 =	slt.s32 s6, s25;
	[tilespmem:s3+$0x58B0 ss:$0x81] =	vst.msk $0xffff, v0  }
0x9d: {  	v7 =	vld [tilespmem:s4+$0x10];
	[tilespmem:s3+$0x60C0 ss:$0x81] =	vst.msk $0xffff, v2  }
0x9e: {  	v1 =	vld [tilespmem:s4+$0x20];
	[tilespmem:s3+$0x68D0 ss:$0x81] =	vst.msk $0xffff, v3  }
0x9f: {  	v0 =	vld [tilespmem:s4+$0x30];
	[tilespmem:s3+$0x70E0 ss:$0x81] =	vst.msk $0xffff, v4;
	s3 =	sadd.s32 $0x8100, s3  }
0xa0: {  	v2 =	vld [tilespmem:s4+$0x40];
	[tilespmem:s3+$0x78F0 ss:$0x81] =	vst.msk $0xffff, v5  }
0xa1: {  	[tilespmem:s3+$0x0 ss:$0x81] =	vst.msk $0xffff, v6;
	v3 =	vld [tilespmem:s4+$0x50]  }
0xa2: {  	[tilespmem:s3+$0x810 ss:$0x81] =	vst.msk $0xffff, v7;
	v4 =	vld [tilespmem:s4+$0x60]  }
0xa3: {  	[tilespmem:s3+$0x1020 ss:$0x81] =	vst.msk $0xffff, v1  }
0xa4: {  	[tilespmem:s3+$0x1830 ss:$0x81] =	vst.msk $0xffff, v0  }
0xa5: {  	[tilespmem:s3+$0x2040 ss:$0x81] =	vst.msk $0xffff, v2  }
.Ltmp10:
0xa6: {  	[tilespmem:s3+$0x2850 ss:$0x81] =	vst.msk $0xffff, v3;
	(pc) =	sbr.rel @p3 .LBB1_7-.Ltmp10, $4  }
0xa7: {  	[tilespmem:s3+$0x3060 ss:$0x81] =	vst.msk $0xffff, v4  }
0xa8: {  	[tilespmem:s3+$0x3870 ss:$0x81] =	vst.msk $0xffff, v5  }
0xa9: {  	[tilespmem:s3+$0x4080 ss:$0x81] =	vst.msk $0xffff, v6  }
0xaa: {  	[tilespmem:s3+$0x4890 ss:$0x81] =	vst.msk $0xffff, v7  }
.LBB1_8:
0xab: {  	[tilespmem:s3+$0x50A0 ss:$0x81] =	vst.msk $0xffff, v1  }
0xac: {  	[tilespmem:s3+$0x58B0 ss:$0x81] =	vst.msk $0xffff, v0  }
0xad: {  	[tilespmem:s3+$0x60C0 ss:$0x81] =	vst.msk $0xffff, v2  }
0xae: {  	[tilespmem:s3+$0x68D0 ss:$0x81] =	vst.msk $0xffff, v3  }
0xaf: {  	[tilespmem:s3+$0x70E0 ss:$0x81] =	vst.msk $0xffff, v4  }
.LBB1_9:
.Ltmp11:
0xb0: {  	(pc) =	sbr.rel @p2 .LBB1_12-.Ltmp11, $1  }
0xb1: {  	_ =	sdelay $0x3  }
0xb2: {  	s3 =	sand.u32 $0x7, s7  }
0xb3: {  	s3 =	sadd.s32 s30, s3  }
0xb4: {  	s3 =	sshll.u32 s3, $0x9  }
0xb5: {  	s3 =	sshra.s32 s3, $0x2  }
0xb6: {  	s4 =	sadd.s32 s3, s26  }
0xb7: {  	v0 =	vmov s4;
	_ =	sdelay $0x2  }
0xb8: {  	s3 =	sadd.s32 s5, s1;
	s4 =	smov.u32 s25  }
.LBB1_11:
0xb9: {  	s5 =	sand.u32 $0x70, s4;
	s4 =	sadd.s32 $0x10, s4  }
0xba: {  	v1 =	vld.idx.msk [tilespmem:v0+s5+$0x0 ss:$0x1], $0xffff;
	p3 =	slt.s32 s4, s24  }
.Ltmp12:
0xbb: {  	_ = 	snop;
	(pc) =	sbr.rel @p3 .LBB1_11-.Ltmp12, $2  }
0xbc: {  	_ =	sdelay $0x2  }
0xbd: {  	[tilespmem:s3+$0x0 ss:$0x81] =	vst.msk $0xffff, v1;
	s3 =	sadd.s32 $0x810, s3  }
.Ltmp13:
0xbe: {  	_ = 	snop;
	(pc) =	sbr.rel .LBB1_12-.Ltmp13, $1  }
0xbf: {  	_ =	sdelay $0x3  }
.LBB1_16:
0xc0: {  	_ =	sfence.sel $0x180000  }
0xc1: {  	s0 =	simm.s32 $0x1;
	[bflag:$0x0] =	sbarrier.arrive $0xFFFF  }
0xc2: {  	s30 =	simm.s32 $0x2;
	[sflag:s0] =	ssyncpa.u1 $0x1  }
0xc3: {  	[sflag:s30] =	ssyncpa.u1 $0x1  }
0xc4: {  	_ =	strace $0x90000047  }
0xc5: {  	s31 =	stileid.u32;
	[bflag:$0x2] =	sbarrier.arrive $0xFFFF  }
0xc6: {  	p0 =	sne.s32 s31, $0x0;
	s0 =	rddreg [dreg:$0x2]  }
0xc7: {  	s0 =	sadd.s32 @!p0 $0x100000, s0  }
0xc8: {  	[sflag:s0] =	ssyncadd.tile.s32 @!p0 $0x1;
	_ =	shalt  }
.Lfunc_end1:
_tile_overlayer_lowered:
.L_overlay_start_2:
0xc9: {  	(tag) =	ssettag $0x2  }
0xca: {  	s0 =	rddreg [dreg:$0x0];
	s2 =	stileid.u32  }
0xcb: {  	s1 =	rddreg [dreg:$0x1];
	p0 =	sne.s32 s2, $0x0  }
0xcc: {  	s3 =	rddreg [dreg:$0x2];
	[bflag:$0x3] =	sbarrier.arrive $0xFFFF;
	s2 =	simm.s32 @!p0 $0x1C01  }
0xcd: {  	[timem:s3], [sflag:s2] =	dma.local @!p0 [hbm:s0], s1  }
0xce: {  	s0 =	simm.s32 @!p0 $0x1  }
0xcf: {  	_ =	swait.ge @!p0 [sflag:s0], s1  }
0xd0: {  	s1 =	ssub.s32 @!p0 $0x0, s1;
	[sflag:s0] =	ssyncset.done @!p0 $0x0  }
0xd1: {  	[sflag:s0] =	ssyncadd.s32 @!p0 s1  }
0xd2: {  	[bflag:$0x3] =	sbarrier.arrive $0xFFFF  }
0xd3: {  	_ =	shalt  }

</sc_bundles>
